<compile_context>
chip_gen: v7x
topology: tpu7x:2x2x1
jax: 0.10.2.dev20260603
libtpu: 0.0.44.dev20260713+nightly
codegen_flags: <defaults>
</compile_context>

<pallas_src>
import functools

import numpy as np
import jax
import jax.numpy as jnp
from jax import lax
from jax.experimental import pallas as pl
from jax.experimental.pallas import tpu as pltpu
from jax.experimental.pallas import tpu_sc as plsc

_C, _H, _W = 3, 32, 32
_B, _D = 64, 256
_P = _C * _H * _W
_L = _P
_R = _L * _B


def _zigzag_gather_idx() -> np.ndarray:
    diagonals = [[] for _ in range(_H + _W - 1)]
    for i in range(_H):
        for j in range(_W):
            s = i + j
            if s % 2 == 0:
                diagonals[s].insert(0, (i, j))
            else:
                diagonals[s].append((i, j))
    pos = []
    for d in diagonals:
        for (i, j) in d:
            for c in range(_C):
                pos.append(c * _H * _W + i * _W + j)
    perm = np.asarray(pos, dtype=np.int64)
    r = np.arange(_R, dtype=np.int64)
    return ((r % _B) * _P + perm[r // _B]).astype(np.int32)


_GATHER_IDX = _zigzag_gather_idx()

_NW = 32
_ROWS_PER_W = _R // _NW
_K = 128
_CHUNKS = _ROWS_PER_W // _K


def _sc_gather(table, idx):
    mesh = plsc.VectorSubcoreMesh(core_axis_name="c", subcore_axis_name="s")

    @functools.partial(
        pl.kernel,
        mesh=mesh,
        out_type=jax.ShapeDtypeStruct((_R, _D), jnp.float32),
        scratch_types=[
            pltpu.VMEM((_ROWS_PER_W,), jnp.int32),
            pltpu.VMEM((_K, _D), jnp.float32),
            pltpu.VMEM((_K, _D), jnp.float32),
            pltpu.VMEM((_K, _D), jnp.float32),
            pltpu.SemaphoreType.DMA,
            pltpu.SemaphoreType.DMA,
            pltpu.SemaphoreType.DMA,
            pltpu.SemaphoreType.DMA,
            pltpu.SemaphoreType.DMA,
            pltpu.SemaphoreType.DMA,
        ],
    )
    def k(table_hbm, idx_hbm, out_hbm, idx_v, b0, b1, b2,
          g0, g1, g2, s0, s1, s2):
        bufs = (b0, b1, b2)
        gsem = (g0, g1, g2)
        ssem = (s0, s1, s2)
        wid = lax.axis_index("s") * 2 + lax.axis_index("c")
        base = wid * _ROWS_PER_W
        pltpu.sync_copy(idx_hbm.at[pl.ds(base, _ROWS_PER_W)], idx_v)

        def gather(chunk, b):
            return pltpu.make_async_copy(
                table_hbm.at[idx_v.at[pl.ds(chunk * _K, _K)]], bufs[b], gsem[b]
            )

        def scatter(chunk, b):
            return pltpu.make_async_copy(
                bufs[b], out_hbm.at[pl.ds(base + chunk * _K, _K)], ssem[b]
            )

        gather(0, 0).start()
        gather(1, 1).start()
        third = _CHUNKS // 3

        def body(t, carry):
            i0 = 3 * t
            for b in range(3):
                i = i0 + b
                bn = (b + 2) % 3
                gather(i, b).wait()
                scatter(i, b).start()

                if b == 0:
                    @pl.when(t > 0)
                    def _():
                        scatter(i - 1, bn).wait()

                    gather(i + 2, bn).start()
                else:
                    scatter(i - 1, bn).wait()

                    @pl.when(t < third - 1)
                    def _():
                        gather(i + 2, bn).start()
            return carry

        lax.fori_loop(0, third, body, 0)
        scatter(_CHUNKS - 1, 2).wait()

    return k(table, idx)


def kernel(x):
    table = x.reshape(_B * _P, _D)
    out = _sc_gather(table, jnp.asarray(_GATHER_IDX))
    return out.reshape(_L, _B, _D)

# --- scband reference (transcript-rebuilt; emitter-appended) ---
"""Pipeline reference for scband-image2-seq-13898514170396 (READ-ONLY COPY).

The authoritative reference and input builder live on the scoring server;
editing this copy changes nothing except your own understanding.
"""

import jax, jax.numpy as jnp
import numpy as np


def _prep_zigzag_cs(channels, height, width):
    diagonals = [[] for _ in range(height + width - 1)]
    for i in range(height):
        for j in range(width):
            s = i + j
            if s % 2 == 0:
                diagonals[s].insert(0, (i, j))
            else:
                diagonals[s].append((i, j))
    idx_list = []
    for d in diagonals:
        for idx in d:
            for c in range(channels):
                idx_list.append((c,) + idx)
    idx0, idx1, idx2 = zip(*idx_list)
    return (
        jnp.asarray(np.array(idx0, dtype=np.int32)),
        jnp.asarray(np.array(idx1, dtype=np.int32)),
        jnp.asarray(np.array(idx2, dtype=np.int32)),
    )


C, H, W = 3, 32, 32
B, D = 64, 256
IDX0, IDX1, IDX2 = _prep_zigzag_cs(C, H, W)


def setup_inputs(seed: int = 0) -> dict:
    key = jax.random.key(seed)
    x = jax.random.normal(key, (B, C, H, W, D), dtype=jnp.float32)
    return {"x": x}


def reference(x):
    # zigzag_cs gather: x[:, idx0, idx1, idx2, :] -> [b, l, dim]
    y = x[:, IDX0, IDX1, IDX2, :]
    # permute([1, 0, 2]) -> [l, b, dim]
    return jnp.transpose(y, (1, 0, 2))

if __name__ == "__main__":
    import jax
    _d = setup_inputs()
    print(jax.jit(kernel)(*tuple(_d.values())))

</pallas_src>

<mosaic_0001>
#map = affine_map<(d0, d1) -> (0, 0)>
#map1 = affine_map<(d0, d1) -> (0)>
module attributes {stable_mosaic.version = 14 : i64} {
  func.func @k(%arg0: i32, %arg1: i32, %arg2: memref<196608x256xf32, #tpu.memory_space<hbm>>, %arg3: memref<196608xi32, #tpu.memory_space<hbm>>, %arg4: memref<196608x256xf32, #tpu.memory_space<hbm>>, %arg5: memref<6144xi32, #tpu.memory_space<vmem>>, %arg6: memref<128x256xf32, #tpu.memory_space<vmem>>, %arg7: memref<128x256xf32, #tpu.memory_space<vmem>>, %arg8: memref<128x256xf32, #tpu.memory_space<vmem>>, %arg9: memref<!tpu.dma_semaphore, #tpu.memory_space<semaphore_mem>>, %arg10: memref<!tpu.dma_semaphore, #tpu.memory_space<semaphore_mem>>, %arg11: memref<!tpu.dma_semaphore, #tpu.memory_space<semaphore_mem>>, %arg12: memref<!tpu.dma_semaphore, #tpu.memory_space<semaphore_mem>>, %arg13: memref<!tpu.dma_semaphore, #tpu.memory_space<semaphore_mem>>, %arg14: memref<!tpu.dma_semaphore, #tpu.memory_space<semaphore_mem>>) attributes {dimension_semantics = [#tpu.dimension_semantics<core_parallel>, #tpu.dimension_semantics<subcore_parallel>], iteration_bounds = array<i64: 2, 16>, scalar_prefetch = 0 : i64, scratch_operands = 10 : i64, tpu.core_type = #tpu.core_type<sc_vector_subcore>, window_params = [{transform_indices = #map}, {transform_indices = #map1}, {transform_indices = #map}]} {
    %mul3A = arith.constant 2 : i32
    %mul3A_0 = arith.muli %arg1, %mul3A : i32
    %add3A = arith.addi %mul3A_0, %arg0 : i32
    %mul3A_1 = arith.constant 6144 : i32
    %mul3A_2 = arith.muli %add3A, %mul3A_1 : i32
    "tpu.region"() ({
      %run_scoped3A = tpu.sem_alloc : memref<!tpu.dma_semaphore, #tpu.memory_space<semaphore_mem>>
      %dma_start3A_22 = tpu.memref_slice %arg3[%mul3A_2] : memref<196608xi32, #tpu.memory_space<hbm>> -> memref<6144xi32, #tpu.memory_space<hbm>>
      %dma_start3A_23 = tpu.memref_slice %arg3[%mul3A_2] : memref<196608xi32, #tpu.memory_space<hbm>> -> memref<6144xi32, #tpu.memory_space<hbm>>
      tpu.enqueue_dma source(%dma_start3A_23 : memref<6144xi32, #tpu.memory_space<hbm>>) target(%arg5 : memref<6144xi32, #tpu.memory_space<vmem>>) target_semaphore(%run_scoped3A : memref<!tpu.dma_semaphore, #tpu.memory_space<semaphore_mem>>)
      %dma_wait3A_24 = tpu.memref_slice %arg3[%mul3A_2] : memref<196608xi32, #tpu.memory_space<hbm>> -> memref<6144xi32, #tpu.memory_space<hbm>>
      %dma_wait3A_25 = tpu.memref_slice %arg3[%mul3A_2] : memref<196608xi32, #tpu.memory_space<hbm>> -> memref<6144xi32, #tpu.memory_space<hbm>>
      tpu.wait_dma2 semaphore(%run_scoped3A : memref<!tpu.dma_semaphore, #tpu.memory_space<semaphore_mem>>) src(%dma_wait3A_25 : memref<6144xi32, #tpu.memory_space<hbm>>) dst(%arg5 : memref<6144xi32, #tpu.memory_space<vmem>>)
      tpu.yield
    }) : () -> ()
    %dma_start3A = arith.constant 0 : i32
    %dma_start3A_3 = tpu.memref_slice %arg5[%dma_start3A] : memref<6144xi32, #tpu.memory_space<vmem>> -> memref<128xi32, #tpu.memory_space<vmem>>
    %dma_start3A_4 = arith.constant 0 : i32
    %dma_start3A_5 = arith.constant 0 : i32
    %dma_start3A_6 = tpu.memref_slice %arg2[%dma_start3A_4, %dma_start3A_5] : memref<196608x256xf32, #tpu.memory_space<hbm>> -> memref<196608x256xf32, #tpu.memory_space<hbm>>
    tpu.enqueue_indirect_dma source(%dma_start3A_6 : memref<196608x256xf32, #tpu.memory_space<hbm>>) target(%arg6 : memref<128x256xf32, #tpu.memory_space<vmem>>) offsets(%dma_start3A_3 : memref<128xi32, #tpu.memory_space<vmem>>) semaphore(%arg9 : memref<!tpu.dma_semaphore, #tpu.memory_space<semaphore_mem>>)
    %dma_start3A_7 = arith.constant 128 : i32
    %dma_start3A_8 = tpu.memref_slice %arg5[%dma_start3A_7] : memref<6144xi32, #tpu.memory_space<vmem>> -> memref<128xi32, #tpu.memory_space<vmem>>
    %dma_start3A_9 = arith.constant 0 : i32
    %dma_start3A_10 = arith.constant 0 : i32
    %dma_start3A_11 = tpu.memref_slice %arg2[%dma_start3A_9, %dma_start3A_10] : memref<196608x256xf32, #tpu.memory_space<hbm>> -> memref<196608x256xf32, #tpu.memory_space<hbm>>
    tpu.enqueue_indirect_dma source(%dma_start3A_11 : memref<196608x256xf32, #tpu.memory_space<hbm>>) target(%arg7 : memref<128x256xf32, #tpu.memory_space<vmem>>) offsets(%dma_start3A_8 : memref<128xi32, #tpu.memory_space<vmem>>) semaphore(%arg10 : memref<!tpu.dma_semaphore, #tpu.memory_space<semaphore_mem>>)
    %scan3A = arith.constant 0 : i32
    %scan3A_12 = arith.constant 0 : i32
    %scan3A_13 = arith.constant 16 : i32
    %scan3A_14 = arith.addi %scan3A_12, %scan3A_13 : i32
    %scan3A_15 = arith.constant 1 : i32
    scf.for %scan3A_22 = %scan3A_12 to %scan3A_14 step %scan3A_15  : i32 {
      %mul3A_23 = arith.constant 3 : i32
      %mul3A_24 = arith.muli %mul3A_23, %scan3A_22 : i32
      %add3A_25 = arith.constant 0 : i32
      %add3A_26 = arith.addi %mul3A_24, %add3A_25 : i32
      %mul3A_27 = arith.constant 128 : i32
      %mul3A_28 = arith.muli %add3A_26, %mul3A_27 : i32
      %dma_wait3A_29 = tpu.memref_slice %arg5[%mul3A_28] : memref<6144xi32, #tpu.memory_space<vmem>> -> memref<128xi32, #tpu.memory_space<vmem>>
      %dma_wait3A_30 = arith.constant 0 : i32
      %dma_wait3A_31 = arith.constant 0 : i32
      %dma_wait3A_32 = tpu.memref_slice %arg2[%dma_wait3A_30, %dma_wait3A_31] : memref<196608x256xf32, #tpu.memory_space<hbm>> -> memref<196608x256xf32, #tpu.memory_space<hbm>>
      tpu.wait_indirect_dma semaphore(%arg9 : memref<!tpu.dma_semaphore, #tpu.memory_space<semaphore_mem>>) src(%dma_wait3A_32 : memref<196608x256xf32, #tpu.memory_space<hbm>>) dst(%arg6 : memref<128x256xf32, #tpu.memory_space<vmem>>)
      %mul3A_33 = arith.constant 128 : i32
      %mul3A_34 = arith.muli %add3A_26, %mul3A_33 : i32
      %add3A_35 = arith.addi %mul3A_2, %mul3A_34 : i32
      %dma_start3A_36 = arith.constant 0 : i32
      %dma_start3A_37 = tpu.memref_slice %arg4[%add3A_35, %dma_start3A_36] : memref<196608x256xf32, #tpu.memory_space<hbm>> -> memref<128x256xf32, #tpu.memory_space<hbm>>
      %dma_start3A_38 = arith.constant 0 : i32
      %dma_start3A_39 = tpu.memref_slice %arg4[%add3A_35, %dma_start3A_38] : memref<196608x256xf32, #tpu.memory_space<hbm>> -> memref<128x256xf32, #tpu.memory_space<hbm>>
      tpu.enqueue_dma source(%arg6 : memref<128x256xf32, #tpu.memory_space<vmem>>) target(%dma_start3A_39 : memref<128x256xf32, #tpu.memory_space<hbm>>) target_semaphore(%arg12 : memref<!tpu.dma_semaphore, #tpu.memory_space<semaphore_mem>>)
      %gt3A = arith.constant 0 : i32
      %gt3A_40 = arith.cmpi sgt, %scan3A_22, %gt3A : i32
      %convert_element_type3A = arith.extui %gt3A_40 : i1 to i32
      %cond3A = arith.constant 0 : i32
      %cond3A_41 = arith.cmpi ne, %convert_element_type3A, %cond3A : i32
      scf.if %cond3A_41 {
        %sub3A_106 = arith.constant 1 : i32
        %sub3A_107 = arith.subi %add3A_26, %sub3A_106 : i32
        %mul3A_108 = arith.constant 128 : i32
        %mul3A_109 = arith.muli %sub3A_107, %mul3A_108 : i32
        %add3A_110 = arith.addi %mul3A_2, %mul3A_109 : i32
        %dma_wait3A_111 = arith.constant 0 : i32
        %dma_wait3A_112 = tpu.memref_slice %arg4[%add3A_110, %dma_wait3A_111] : memref<196608x256xf32, #tpu.memory_space<hbm>> -> memref<128x256xf32, #tpu.memory_space<hbm>>
        %dma_wait3A_113 = arith.constant 0 : i32
        %dma_wait3A_114 = tpu.memref_slice %arg4[%add3A_110, %dma_wait3A_113] : memref<196608x256xf32, #tpu.memory_space<hbm>> -> memref<128x256xf32, #tpu.memory_space<hbm>>
        tpu.wait_dma2 semaphore(%arg14 : memref<!tpu.dma_semaphore, #tpu.memory_space<semaphore_mem>>) src(%arg8 : memref<128x256xf32, #tpu.memory_space<vmem>>) dst(%dma_wait3A_114 : memref<128x256xf32, #tpu.memory_space<hbm>>)
      } else {
      }
      %add3A_42 = arith.constant 2 : i32
      %add3A_43 = arith.addi %add3A_26, %add3A_42 : i32
      %mul3A_44 = arith.constant 128 : i32
      %mul3A_45 = arith.muli %add3A_43, %mul3A_44 : i32
      %dma_start3A_46 = tpu.memref_slice %arg5[%mul3A_45] : memref<6144xi32, #tpu.memory_space<vmem>> -> memref<128xi32, #tpu.memory_space<vmem>>
      %dma_start3A_47 = arith.constant 0 : i32
      %dma_start3A_48 = arith.constant 0 : i32
      %dma_start3A_49 = tpu.memref_slice %arg2[%dma_start3A_47, %dma_start3A_48] : memref<196608x256xf32, #tpu.memory_space<hbm>> -> memref<196608x256xf32, #tpu.memory_space<hbm>>
      tpu.enqueue_indirect_dma source(%dma_start3A_49 : memref<196608x256xf32, #tpu.memory_space<hbm>>) target(%arg8 : memref<128x256xf32, #tpu.memory_space<vmem>>) offsets(%dma_start3A_46 : memref<128xi32, #tpu.memory_space<vmem>>) semaphore(%arg11 : memref<!tpu.dma_semaphore, #tpu.memory_space<semaphore_mem>>)
      %add3A_50 = arith.constant 1 : i32
      %add3A_51 = arith.addi %mul3A_24, %add3A_50 : i32
      %mul3A_52 = arith.constant 128 : i32
      %mul3A_53 = arith.muli %add3A_51, %mul3A_52 : i32
      %dma_wait3A_54 = tpu.memref_slice %arg5[%mul3A_53] : memref<6144xi32, #tpu.memory_space<vmem>> -> memref<128xi32, #tpu.memory_space<vmem>>
      %dma_wait3A_55 = arith.constant 0 : i32
      %dma_wait3A_56 = arith.constant 0 : i32
      %dma_wait3A_57 = tpu.memref_slice %arg2[%dma_wait3A_55, %dma_wait3A_56] : memref<196608x256xf32, #tpu.memory_space<hbm>> -> memref<196608x256xf32, #tpu.memory_space<hbm>>
      tpu.wait_indirect_dma semaphore(%arg10 : memref<!tpu.dma_semaphore, #tpu.memory_space<semaphore_mem>>) src(%dma_wait3A_57 : memref<196608x256xf32, #tpu.memory_space<hbm>>) dst(%arg7 : memref<128x256xf32, #tpu.memory_space<vmem>>)
      %mul3A_58 = arith.constant 128 : i32
      %mul3A_59 = arith.muli %add3A_51, %mul3A_58 : i32
      %add3A_60 = arith.addi %mul3A_2, %mul3A_59 : i32
      %dma_start3A_61 = arith.constant 0 : i32
      %dma_start3A_62 = tpu.memref_slice %arg4[%add3A_60, %dma_start3A_61] : memref<196608x256xf32, #tpu.memory_space<hbm>> -> memref<128x256xf32, #tpu.memory_space<hbm>>
      %dma_start3A_63 = arith.constant 0 : i32
      %dma_start3A_64 = tpu.memref_slice %arg4[%add3A_60, %dma_start3A_63] : memref<196608x256xf32, #tpu.memory_space<hbm>> -> memref<128x256xf32, #tpu.memory_space<hbm>>
      tpu.enqueue_dma source(%arg7 : memref<128x256xf32, #tpu.memory_space<vmem>>) target(%dma_start3A_64 : memref<128x256xf32, #tpu.memory_space<hbm>>) target_semaphore(%arg13 : memref<!tpu.dma_semaphore, #tpu.memory_space<semaphore_mem>>)
      %sub3A = arith.constant 1 : i32
      %sub3A_65 = arith.subi %add3A_51, %sub3A : i32
      %mul3A_66 = arith.constant 128 : i32
      %mul3A_67 = arith.muli %sub3A_65, %mul3A_66 : i32
      %add3A_68 = arith.addi %mul3A_2, %mul3A_67 : i32
      %dma_wait3A_69 = arith.constant 0 : i32
      %dma_wait3A_70 = tpu.memref_slice %arg4[%add3A_68, %dma_wait3A_69] : memref<196608x256xf32, #tpu.memory_space<hbm>> -> memref<128x256xf32, #tpu.memory_space<hbm>>
      %dma_wait3A_71 = arith.constant 0 : i32
      %dma_wait3A_72 = tpu.memref_slice %arg4[%add3A_68, %dma_wait3A_71] : memref<196608x256xf32, #tpu.memory_space<hbm>> -> memref<128x256xf32, #tpu.memory_space<hbm>>
      tpu.wait_dma2 semaphore(%arg12 : memref<!tpu.dma_semaphore, #tpu.memory_space<semaphore_mem>>) src(%arg6 : memref<128x256xf32, #tpu.memory_space<vmem>>) dst(%dma_wait3A_72 : memref<128x256xf32, #tpu.memory_space<hbm>>)
      %lt3A = arith.constant 15 : i32
      %lt3A_73 = arith.cmpi slt, %scan3A_22, %lt3A : i32
      %convert_element_type3A_74 = arith.extui %lt3A_73 : i1 to i32
      %cond3A_75 = arith.constant 0 : i32
      %cond3A_76 = arith.cmpi ne, %convert_element_type3A_74, %cond3A_75 : i32
      scf.if %cond3A_76 {
        %add3A_106 = arith.constant 2 : i32
        %add3A_107 = arith.addi %add3A_51, %add3A_106 : i32
        %mul3A_108 = arith.constant 128 : i32
        %mul3A_109 = arith.muli %add3A_107, %mul3A_108 : i32
        %dma_start3A_110 = tpu.memref_slice %arg5[%mul3A_109] : memref<6144xi32, #tpu.memory_space<vmem>> -> memref<128xi32, #tpu.memory_space<vmem>>
        %dma_start3A_111 = arith.constant 0 : i32
        %dma_start3A_112 = arith.constant 0 : i32
        %dma_start3A_113 = tpu.memref_slice %arg2[%dma_start3A_111, %dma_start3A_112] : memref<196608x256xf32, #tpu.memory_space<hbm>> -> memref<196608x256xf32, #tpu.memory_space<hbm>>
        tpu.enqueue_indirect_dma source(%dma_start3A_113 : memref<196608x256xf32, #tpu.memory_space<hbm>>) target(%arg6 : memref<128x256xf32, #tpu.memory_space<vmem>>) offsets(%dma_start3A_110 : memref<128xi32, #tpu.memory_space<vmem>>) semaphore(%arg9 : memref<!tpu.dma_semaphore, #tpu.memory_space<semaphore_mem>>)
      } else {
      }
      %add3A_77 = arith.constant 2 : i32
      %add3A_78 = arith.addi %mul3A_24, %add3A_77 : i32
      %mul3A_79 = arith.constant 128 : i32
      %mul3A_80 = arith.muli %add3A_78, %mul3A_79 : i32
      %dma_wait3A_81 = tpu.memref_slice %arg5[%mul3A_80] : memref<6144xi32, #tpu.memory_space<vmem>> -> memref<128xi32, #tpu.memory_space<vmem>>
      %dma_wait3A_82 = arith.constant 0 : i32
      %dma_wait3A_83 = arith.constant 0 : i32
      %dma_wait3A_84 = tpu.memref_slice %arg2[%dma_wait3A_82, %dma_wait3A_83] : memref<196608x256xf32, #tpu.memory_space<hbm>> -> memref<196608x256xf32, #tpu.memory_space<hbm>>
      tpu.wait_indirect_dma semaphore(%arg11 : memref<!tpu.dma_semaphore, #tpu.memory_space<semaphore_mem>>) src(%dma_wait3A_84 : memref<196608x256xf32, #tpu.memory_space<hbm>>) dst(%arg8 : memref<128x256xf32, #tpu.memory_space<vmem>>)
      %mul3A_85 = arith.constant 128 : i32
      %mul3A_86 = arith.muli %add3A_78, %mul3A_85 : i32
      %add3A_87 = arith.addi %mul3A_2, %mul3A_86 : i32
      %dma_start3A_88 = arith.constant 0 : i32
      %dma_start3A_89 = tpu.memref_slice %arg4[%add3A_87, %dma_start3A_88] : memref<196608x256xf32, #tpu.memory_space<hbm>> -> memref<128x256xf32, #tpu.memory_space<hbm>>
      %dma_start3A_90 = arith.constant 0 : i32
      %dma_start3A_91 = tpu.memref_slice %arg4[%add3A_87, %dma_start3A_90] : memref<196608x256xf32, #tpu.memory_space<hbm>> -> memref<128x256xf32, #tpu.memory_space<hbm>>
      tpu.enqueue_dma source(%arg8 : memref<128x256xf32, #tpu.memory_space<vmem>>) target(%dma_start3A_91 : memref<128x256xf32, #tpu.memory_space<hbm>>) target_semaphore(%arg14 : memref<!tpu.dma_semaphore, #tpu.memory_space<semaphore_mem>>)
      %sub3A_92 = arith.constant 1 : i32
      %sub3A_93 = arith.subi %add3A_78, %sub3A_92 : i32
      %mul3A_94 = arith.constant 128 : i32
      %mul3A_95 = arith.muli %sub3A_93, %mul3A_94 : i32
      %add3A_96 = arith.addi %mul3A_2, %mul3A_95 : i32
      %dma_wait3A_97 = arith.constant 0 : i32
      %dma_wait3A_98 = tpu.memref_slice %arg4[%add3A_96, %dma_wait3A_97] : memref<196608x256xf32, #tpu.memory_space<hbm>> -> memref<128x256xf32, #tpu.memory_space<hbm>>
      %dma_wait3A_99 = arith.constant 0 : i32
      %dma_wait3A_100 = tpu.memref_slice %arg4[%add3A_96, %dma_wait3A_99] : memref<196608x256xf32, #tpu.memory_space<hbm>> -> memref<128x256xf32, #tpu.memory_space<hbm>>
      tpu.wait_dma2 semaphore(%arg13 : memref<!tpu.dma_semaphore, #tpu.memory_space<semaphore_mem>>) src(%arg7 : memref<128x256xf32, #tpu.memory_space<vmem>>) dst(%dma_wait3A_100 : memref<128x256xf32, #tpu.memory_space<hbm>>)
      %lt3A_101 = arith.constant 15 : i32
      %lt3A_102 = arith.cmpi slt, %scan3A_22, %lt3A_101 : i32
      %convert_element_type3A_103 = arith.extui %lt3A_102 : i1 to i32
      %cond3A_104 = arith.constant 0 : i32
      %cond3A_105 = arith.cmpi ne, %convert_element_type3A_103, %cond3A_104 : i32
      scf.if %cond3A_105 {
        %add3A_106 = arith.constant 2 : i32
        %add3A_107 = arith.addi %add3A_78, %add3A_106 : i32
        %mul3A_108 = arith.constant 128 : i32
        %mul3A_109 = arith.muli %add3A_107, %mul3A_108 : i32
        %dma_start3A_110 = tpu.memref_slice %arg5[%mul3A_109] : memref<6144xi32, #tpu.memory_space<vmem>> -> memref<128xi32, #tpu.memory_space<vmem>>
        %dma_start3A_111 = arith.constant 0 : i32
        %dma_start3A_112 = arith.constant 0 : i32
        %dma_start3A_113 = tpu.memref_slice %arg2[%dma_start3A_111, %dma_start3A_112] : memref<196608x256xf32, #tpu.memory_space<hbm>> -> memref<196608x256xf32, #tpu.memory_space<hbm>>
        tpu.enqueue_indirect_dma source(%dma_start3A_113 : memref<196608x256xf32, #tpu.memory_space<hbm>>) target(%arg7 : memref<128x256xf32, #tpu.memory_space<vmem>>) offsets(%dma_start3A_110 : memref<128xi32, #tpu.memory_space<vmem>>) semaphore(%arg10 : memref<!tpu.dma_semaphore, #tpu.memory_space<semaphore_mem>>)
      } else {
      }
    }
    %scan3A_16 = arith.constant 16 : i32
    %add3A_17 = arith.constant 6016 : i32
    %add3A_18 = arith.addi %mul3A_2, %add3A_17 : i32
    %dma_wait3A = arith.constant 0 : i32
    %dma_wait3A_19 = tpu.memref_slice %arg4[%add3A_18, %dma_wait3A] : memref<196608x256xf32, #tpu.memory_space<hbm>> -> memref<128x256xf32, #tpu.memory_space<hbm>>
    %dma_wait3A_20 = arith.constant 0 : i32
    %dma_wait3A_21 = tpu.memref_slice %arg4[%add3A_18, %dma_wait3A_20] : memref<196608x256xf32, #tpu.memory_space<hbm>> -> memref<128x256xf32, #tpu.memory_space<hbm>>
    tpu.wait_dma2 semaphore(%arg14 : memref<!tpu.dma_semaphore, #tpu.memory_space<semaphore_mem>>) src(%arg8 : memref<128x256xf32, #tpu.memory_space<vmem>>) dst(%dma_wait3A_21 : memref<128x256xf32, #tpu.memory_space<hbm>>)
    return
  }
}

</mosaic_0001>

<sc_bundles>
// kernel: kernel.3.cloned.1.call-start
scs
__scs_entry_jumppad:
0x0: {  	(pc) =	sbr.rel $0x88, $3  }
0x1: {  	(tag) =	ssettag $0x0;
	lr =	simm.s32 $0x1  }
0x2: {  	[smem:$0x3FA0] =	sst lr;
	_ =	strace $0xD0000000  }
0x3: {  	_ = 	snop  }
0x4: {  	_ = 	snop  }
0x5: {  	_ = 	snop  }
0x6: {  	_ = 	snop  }
0x7: {  	_ = 	snop  }
__scs_overlays_trampoline_lowered:
0x8: {  	[smem:$0x3FAF] =	sst s0  }
0x9: {  	[smem:$0x3FB0] =	sst s1  }
0xa: {  	[smem:$0x3FB1] =	sst s2  }
0xb: {  	[smem:$0x3FB2] =	sst s3  }
0xc: {  	[smem:$0x3FB3] =	sst s4  }
0xd: {  	[smem:$0x3FB4] =	sst s5  }
0xe: {  	[smem:$0x3FB5] =	sst s6  }
0xf: {  	[smem:$0x3FB6] =	sst s7  }
0x10: {  	[smem:$0x3FB7] =	sst s8  }
0x11: {  	[smem:$0x3FB8] =	sst s9;
	s0 =	simm.s32 @!p0 $0x0  }
0x12: {  	s1 =	sld [smem:$0x3F9E];
	s0 =	simm.s32 @p0 $0x1  }
0x13: {  	[smem:$0x3FB9] =	sst s0;
	s0 =	simm.s32 @!p1 $0x0  }
0x14: {  	s2 =	sld [smem:$0x3F9D];
	s0 =	simm.s32 @p1 $0x1  }
0x15: {  	[smem:$0x3FBA] =	sst s0;
	s0 =	simm.s32 @!p2 $0x0  }
0x16: {  	s3 =	sld [smem:$0x3FDB];
	s0 =	simm.s32 @p2 $0x1  }
0x17: {  	s4 =	simm.s32 $0x1BF5;
	[smem:$0x3FBC] =	sst s0  }
0x18: {  	s0 =	sld [smem:$0x3F9F];
	_ =	swait.ge [sflag:s4], $0x0  }
0x19: {  	s7 =	sld [smem:$0x3FA0]  }
0x1a: {  	s8 =	sadd.s32 $0xFFFFE003, lr  }
0x1b: {  	s9 =	sadd.s32 $0xFFFFFEF7, lr;
	s5 =	simm.s32 $0xFFFFFFFF;
	p2 =	slt.u32 s8, $0xFFFFF086  }
0x1c: {  	p1 =	slt.u32 s9, $0xF7A;
	s5 =	simm.s32 @!p2 $0x0  }
0x1d: {  	s5 =	simm.s32 @p1 $0x1;
	p0 =	seq.s32 s7, s2  }
0x1e: {  	s7 =	smul.u32 @!p0 $0xF7A, s2;
	p2 =	seq.s32 @!p0 s5, $0x0  }
0x1f: {  	s9 =	smul.u32 $0xF7A, s1;
	s8 =	simm.s32 @!p0 $0x1BF5;
	p2 =	por !p2, p0  }
0x20: {  	[sflag:s8] =	ssyncset.s32 @!p0 $0xFFFFF086;
	s6 =	sadd.s32 @!p0 s3, s7;
	s7 =	simm.s32 @!p0 $0x108  }
0x21: {  	s3 =	sadd.s32 s3, s9;
	s6 =	sadd.s32 @!p0 $0x88, s6;
	s7 =	simm.s32 @p2 $0x1082  }
0x22: {  	[simem:s7], [sflag:s8] =	dma.local @!p0 [hbm:s6], $0xF7A  }
0x23: {  	s9 =	sor.u32 $0xD0000000, s2;
	s6 =	simm.s32 $0x108;
	_ =	swait.ge @!p0 [sflag:s8], $0x0  }
0x24: {  	s3 =	sadd.s32 $0x88, s3;
	s6 =	simm.s32 @!p1 $0x1082;
	[sflag:s4] =	ssyncset.s32 $0xFFFFF086  }
0x25: {  	[simem:s6], [sflag:s4] =	dma.local [hbm:s3], $0xF7A  }
0x26: {  	[smem:$0x3FA0] =	sst s1;
	(tag) =	ssettag s2;
	_ =	strace s9  }
0x27: {  	s1 =	sld [smem:$0x3FB0]  }
0x28: {  	s2 =	sld [smem:$0x3FB1]  }
0x29: {  	s4 =	sld [smem:$0x3FB3]  }
0x2a: {  	p0 =	seq.s32 s5, $0x0;
	s5 =	sld [smem:$0x3FB4]  }
0x2b: {  	s6 =	sld [smem:$0x3FB5]  }
0x2c: {  	s7 =	sld [smem:$0x3FB6]  }
0x2d: {  	s3 =	simm.s32 $0x108;
	s8 =	sld [smem:$0x3FB7]  }
0x2e: {  	s3 =	simm.s32 @!p0 $0x1082;
	s9 =	sld [smem:$0x3FB8]  }
0x2f: {  	lr =	sadd.s32 s0, s3;
	s0 =	sld [smem:$0x3FAF]  }
0x30: {  	s3 =	sld [smem:$0x3FB2]  }
0x31: {  	[smem:$0x3FBB] =	sst s10  }
0x32: {  	s10 =	sld [smem:$0x3FB9];
	_ =	sdelay $0x3  }
0x33: {  	p0 =	seq.s32 s10, $0x1;
	s10 =	sld [smem:$0x3FBB];
	_ =	sdelay $0x3  }
0x34: {  	[smem:$0x3FBB] =	sst s10  }
0x35: {  	s10 =	sld [smem:$0x3FBA];
	_ =	sdelay $0x3  }
0x36: {  	p1 =	seq.s32 s10, $0x1;
	s10 =	sld [smem:$0x3FBB];
	_ =	sdelay $0x3  }
0x37: {  	[smem:$0x3FBB] =	sst s10  }
0x38: {  	s10 =	sld [smem:$0x3FBC]  }
0x39: {  	_ = 	snop;
	(pc) =	sbr.ind lr, $3  }
0x3a: {  	_ = 	snop  }
0x3b: {  	_ = 	snop  }
0x3c: {  	p2 =	seq.s32 s10, $0x1;
	s10 =	sld [smem:$0x3FBB]  }
0x3d: {  	_ =	shalt  }
0x3e: {  	_ =	shalt  }
0x3f: {  	_ =	shalt  }
0x40: {  	_ =	shalt  }
0x41: {  	_ =	shalt  }
0x42: {  	_ =	shalt  }
0x43: {  	_ =	shalt  }
0x44: {  	_ =	shalt  }
0x45: {  	_ =	shalt  }
0x46: {  	_ =	shalt  }
0x47: {  	_ =	shalt  }
0x48: {  	_ =	shalt  }
0x49: {  	_ =	shalt  }
0x4a: {  	_ =	shalt  }
0x4b: {  	_ =	shalt  }
0x4c: {  	_ =	shalt  }
0x4d: {  	_ =	shalt  }
0x4e: {  	_ =	shalt  }
0x4f: {  	_ =	shalt  }
0x50: {  	_ =	shalt  }
0x51: {  	_ =	shalt  }
0x52: {  	_ =	shalt  }
0x53: {  	_ =	shalt  }
0x54: {  	_ =	shalt  }
0x55: {  	_ =	shalt  }
0x56: {  	_ =	shalt  }
0x57: {  	_ =	shalt  }
0x58: {  	_ =	shalt  }
0x59: {  	_ =	shalt  }
0x5a: {  	_ =	shalt  }
0x5b: {  	_ =	shalt  }
0x5c: {  	_ =	shalt  }
0x5d: {  	_ =	shalt  }
0x5e: {  	_ =	shalt  }
0x5f: {  	_ =	shalt  }
0x60: {  	_ =	shalt  }
0x61: {  	_ =	shalt  }
0x62: {  	_ =	shalt  }
0x63: {  	_ =	shalt  }
0x64: {  	_ =	shalt  }
0x65: {  	_ =	shalt  }
0x66: {  	_ =	shalt  }
0x67: {  	_ =	shalt  }
0x68: {  	_ =	shalt  }
0x69: {  	_ =	shalt  }
0x6a: {  	_ =	shalt  }
0x6b: {  	_ =	shalt  }
0x6c: {  	_ =	shalt  }
0x6d: {  	_ =	shalt  }
0x6e: {  	_ =	shalt  }
0x6f: {  	_ =	shalt  }
0x70: {  	_ =	shalt  }
0x71: {  	_ =	shalt  }
0x72: {  	_ =	shalt  }
0x73: {  	_ =	shalt  }
0x74: {  	_ =	shalt  }
0x75: {  	_ =	shalt  }
0x76: {  	_ =	shalt  }
0x77: {  	_ =	shalt  }
0x78: {  	_ =	shalt  }
0x79: {  	_ =	shalt  }
0x7a: {  	_ =	shalt  }
0x7b: {  	_ =	shalt  }
0x7c: {  	_ =	shalt  }
0x7d: {  	_ =	shalt  }
0x7e: {  	_ =	shalt  }
0x7f: {  	_ =	shalt  }
0x80: {  	_ =	shalt  }
0x81: {  	_ =	shalt  }
0x82: {  	_ =	shalt  }
0x83: {  	_ =	shalt  }
0x84: {  	_ =	shalt  }
0x85: {  	_ =	shalt  }
0x86: {  	_ =	shalt  }
0x87: {  	_ =	shalt  }
.Lfunc_end0:
.L_simem_size_0:
called_computation_lowered:
.L_overlay_start_0:
0x88: {  	s2 =	sld [smem:$0x3FD9]  }
0x89: {  	s3 =	sld [smem:$0x3FFE];
	_ =	sdelay $0x1  }
0x8a: {  	s1 =	srdreg.scid  }
0x8b: {  	s0 =	sand.u32 $0x1, s1  }
0x8c: {  	s17 =	sshll.u32 s0, $0xA;
	s2 =	sadd.s32 s3, s2  }
0x8d: {  	s2 =	sadd.s32 s2, s17  }
0x8e: {  	[smem:$0x3FC7] =	sst s2  }
0x8f: {  	_ = 	snop  }
0x90: {  	s2 =	sld [smem:$0x3FC9]  }
0x91: {  	s18 =	sld [smem:$0x3FD0];
	(tm) =	ssettm $0x1  }
0x92: {  	s4 =	sld [smem:$0x3FFB];
	_ =	sdelay $0x3  }
0x93: {  	_ =	strace s4  }
0x94: {  	s4 =	sld [smem:$0x3FFC];
	_ =	sdelay $0x3  }
0x95: {  	_ =	strace s4  }
0x96: {  	s4 =	sld [smem:$0x3FFD];
	_ =	sdelay $0x3  }
0x97: {  	_ =	strace s4  }
0x98: {  	_ =	strace $0x8FFFFFFF  }
0x99: {  	s19 =	sld [smem:$0x3FDB];
	_ =	sdelay $0x1  }
0x9a: {  	s5 =	simm.s32 $_scs_section_size  }
0x9b: {  	s6 =	simm.s32 $_size__tile_overlayer_lowered;
	s7 =	simm.s32 $_tile_overlayer_lowered  }
0x9c: {  	s22 =	simm.s32 $0x1BFF;
	s21 =	sshll.u32 s7, $0x1;
	s4 =	sadd.s32 s5, s19  }
0x9d: {  	s8 =	simm.s32 $0x0;
	s20 =	sshll.u32 s6, $0x1;
	s6 =	sadd.s32 s21, s4  }
0x9e: {  	[timem:s8], [sflag:s22] =	dma.local [hbm:s6], s20  }
0x9f: {  	_ =	swait.ge [sflag:s22], s20  }
0xa0: {  	s5 =	ssub.s32 $0x0, s20;
	[sflag:s22] =	ssyncset.done $0x0  }
0xa1: {  	[sflag:s22] =	ssyncadd.s32 s5;
	_ =	sdelay $0x1  }
0xa2: {  	s23 =	simm.s32 $0x1B8B  }
0xa3: {  	_ =	swait.ge [sflag:s23], $0x1  }
0xa4: {  	[sflag:s23] =	ssyncset.done $0x0  }
0xa5: {  	s25 =	simm.s32 $0x1B8E;
	s24 =	sld [smem:$0x3FFE];
	[sflag:s23] =	ssyncadd.s32 $0xFFFFFFFF  }
0xa6: {  	s26 =	simm.s32 $execute0_lowered;
	[smem:$0x3FD2] =	sst s25  }
0xa7: {  	s6 =	sshll.u32 s26, $0x1;
	_ =	strace $0x80000046;
	[dreg:$0x1] =	wrdreg $0xFFFFFFFF  }
0xa8: {  	s28 =	simm.s32 $_size_execute0_lowered;
	s4 =	sadd.s32 s4, s6;
	[dreg:$0x0] =	wrdreg $0x0  }
0xa9: {  	s6 =	sshll.u32 s28, $0x1;
	[dreg:$0x2] =	wrdreg s4  }
0xaa: {  	[dreg:$0x3] =	wrdreg s6  }
0xab: {  	[dreg:$0x4] =	wrdreg $0xC0  }
0xac: {  	_ =	task [dreg:s8], $0x5FFFF  }
0xad: {  	[dreg:$0x1] =	wrdreg $0xFFFFFFFF  }
0xae: {  	[dreg:$0x0] =	wrdreg $0x60  }
0xaf: {  	[dreg:$0x2] =	wrdreg s2  }
0xb0: {  	[dreg:$0x3] =	wrdreg s24  }
0xb1: {  	[dreg:$0x4] =	wrdreg s18  }
0xb2: {  	[dreg:$0x5] =	wrdreg $0x9  }
0xb3: {  	_ =	task.clear_ibuf [dreg:s8], $0x6FFFF;
	_ =	strace $0x90000046  }
0xb4: {  	s29 =	simm.s32 $0x9;
	_ =	strace $0x80000048  }
0xb5: {  	_ =	swait.ge [sflag:s29], $0x1  }
0xb6: {  	[sflag:s29] =	ssyncadd.s32 $0xFFFFFFFF  }
0xb7: {  	_ =	strace $0x90000048  }
0xb8: {  	_ =	sfence  }
0xb9: {  	s30 =	sld [smem:$0x0];
	_ =	sdelay $0x2  }
0xba: {  	s31 =	sshll.u32 s1, $0xD;
	s1 =	sshrl.u32 s1, $0x2  }
0xbb: {  	s3 =	sand.u32 $0x4000, s31;
	s1 =	sadd.s32 s1, s30  }
0xbc: {  	s0 =	sor.u32 s3, s0;
	s1 =	sshll.u32 s1, $0x11  }
0xbd: {  	s0 =	sor.u32 s1, s0  }
0xbe: {  	s0 =	sadd.s32 $0x8F2B, s0  }
0xbf: {  	[sflag:s0] =	ssyncadd.remote.s32 $0x1  }
0xc0: {  	_ =	sfence.sel $0xFFFF  }
0xc1: {  	[dreg:$0x0] =	wrdreg $0xFFFFFFFF;
	(pc) =	sbr.abs _section_cstart, $3  }
0xc2: {  	[dreg:$0x1] =	wrdreg $0xFFFFFFFF  }
0xc3: {  	_ =	task.clear_ibuf [dreg:s8], $0x2FFFF;
	_ =	strace $0x9FFFFFFF  }
0xc4: {  	(tm) =	ssettm $0x7FFFFFFF  }
0xc5: {  	_ =	shalt  }
tec
execute0_lowered:
.L_overlay_start_1:
0x0: {  	(tag) =	ssettag $0x1  }
0x1: {  	s1 =	rddreg [dreg:$0x0]  }
0x2: {  	s0 =	rddreg [dreg:$0x1];
	s2 =	srdreg.scid  }
0x3: {  	s8 =	stileid.u32;
	s4 =	rddreg [dreg:$0x2];
	s3 =	simm.s32 $0x0  }
0x4: {  	s12 =	simm.s32 $0x11000;
	s13 =	simm.s32 $0x1;
	s14 =	simm.s32 $0x11800  }
0x5: {  	s15 =	simm.s32 $0x12000;
	s16 =	simm.s32 $0x12800;
	s17 =	simm.s32 $0x13000  }
0x6: {  	s18 =	simm.s32 $0x13800;
	s19 =	simm.s32 $0x14000;
	s20 =	simm.s32 $0x14800  }
0x7: {  	s21 =	simm.s32 $0x15000;
	s22 =	simm.s32 $0x15800;
	s23 =	simm.s32 $0x16000  }
0x8: {  	s28 =	simm.s32 $0x17800;
	s29 =	simm.s32 $0x18000;
	s30 =	simm.s32 $0x18800  }
0x9: {  	s31 =	simm.s32 $0x19000;
	s10 =	simm.s32 $0x0;
	s2 =	sand.u32 $0x1, s2  }
0xa: {  	s5 =	sshll.u32 s8, $0x1;
	[smem:$0x7FF] =	sst s3;
	s8 =	smul.u32 $0x60000, s8  }
0xb: {  	s5 =	sor.u32 s2, s5;
	s6 =	ssub.s32 $0x2, s2;
	s2 =	smul.u32 $0x30000, s2  }
0xc: {  	_ =	strace $0x80000047;
	s5 =	smul.u32 $0x1800, s5;
	s7 =	sshrl.u32 s6, $0x1  }
0xd: {  	s26 =	sadd.s32 s8, s4;
	s8 =	simm.s32 $0x1800;
	s4 =	simm.s32 $0x3  }
.Ltmp0:
0xe: {  	s24 =	ssub.s32 s6, s7;
	s6 =	sadd.s32 s2, s26;
	(pc) =	sbr.rel .LBB2_1-.Ltmp0, $4  }
0xf: {  	s26 =	simm.s32 $0x17000;
	s2 =	simm.s32 $0x2;
	s5 =	sshrl.u32 s5, $0x3  }
0x10: {  	v2 =	vlaneseq.u32;
	s25 =	smax.u32 s24, $0x1;
	s24 =	simm.s32 $0x9800;
	s0 =	sadd.s32 s5, s0  }
0x11: {  	vm0 =	vmmov $0xffff;
	v1 =	vshrl.u32 v2, $0x3;
	[dreg:$0x5] =	wrdreg s25;
	s25 =	simm.s32 $0x16800;
	s0 =	sadd.s32 $0x400, s0  }
0x12: {  	v0 =	vand.u32 $0x7, v2;
	v2 =	vor.u32 $0x8, v2;
	v1 =	vmul.u32 $0x8, v1;
	s5 =	simm.s32 $0x5;
	[dreg:$0x4] =	wrdreg s0;
	s0 =	simm.s32 $0x4  }
.LBB2_6:
0x13: {  	s9 =	simm.s32 $0x6  }
0x14: {  	_ =	swait.ge [sflag:s9], $0x8000  }
0x15: {  	s10 =	rddreg [dreg:$0x6]  }
0x16: {  	s7 =	rddreg [dreg:$0x5];
	s10 =	sadd.s32 $0x1, s10  }
0x17: {  	p0 =	sne.s32 s10, s7  }
.Ltmp1:
0x18: {  	_ = 	snop;
	(pc) =	sbr.rel @!p0 .LBB2_7-.Ltmp1, $3  }
0x19: {  	_ =	sdelay $0x1  }
0x1a: {  	[sflag:s9] =	ssyncset.done $0x0  }
0x1b: {  	[sflag:s9] =	ssyncadd.s32 $0xFFFF8000  }
.LBB2_1:
0x1c: {  	[dreg:$0x6] =	wrdreg s10  }
0x1d: {  	s7 =	rddreg [dreg:$0x4];
	s9 =	simm.s32 $0x7  }
0x1e: {  	[tilespmem:s3], [sflag:$0x7] =	stream.linear.gather [hbm4b:s7+s3], $0x1800, $0x38;
	[tilespmem:$0x19800] =	vst v63  }
0x1f: {  	_ =	swait.ge [sflag:s9], $0x1800  }
0x20: {  	[sflag:s9] =	ssyncset.done $0x0  }
0x21: {  	[sflag:s9] =	ssyncadd.s32 $0xFFFFE800  }
0x22: {  	v3 =	vld [tilespmem:$0x0];
	_ =	sdelay $0x4  }
0x23: {  	v4 =	vshll.u32 v3, $0x1  }
0x24: {  	v3 =	vand.u32 $0x7, v3;
	v4 =	vand.u32 $0xFFFFFFF0, v4  }
0x25: {  	v3 =	vor.u32 v3, v4  }
0x26: {  	v4 =	vperm.xlane v3, v0;
	_ =	sdelay $0x1  }
0x27: {  	v3 =	vperm.xlane v3, v2;
	v4 =	vadd.s32 v1, v4;
	_ =	sdelay $0x1  }
0x28: {  	v3 =	vadd.s32 v1, v3;
	_ =	sdelay $0x2  }
0x29: {  	[tilespmem:s8], [sflag:$0x1] =	stream.indirect_vreg.gather [hbm4b:s1+s3], $0x80, v4, vm0, $0xb8;
	[tilespmem:$0x19800] =	vst v63  }
0x2a: {  	s10 =	simm.s32 $0x2000  }
0x2b: {  	[tilespmem:s10], [sflag:$0x1] =	stream.indirect_vreg.gather [hbm4b:s1+s3], $0x80, v3, vm0, $0xb8;
	[tilespmem:$0x19800] =	vst v63  }
0x2c: {  	v3 =	vld [tilespmem:$0x10];
	_ =	sdelay $0x4  }
0x2d: {  	v49 =	vshll.u32 v3, $0x1  }
0x2e: {  	v3 =	vand.u32 $0x7, v3;
	v4 =	vand.u32 $0xFFFFFFF0, v49  }
0x2f: {  	v3 =	vor.u32 v3, v4  }
0x30: {  	v4 =	vperm.xlane v3, v0;
	_ =	sdelay $0x1  }
0x31: {  	v3 =	vperm.xlane v3, v2;
	v4 =	vadd.s32 v1, v4;
	_ =	sdelay $0x1  }
0x32: {  	v3 =	vadd.s32 v1, v3;
	_ =	sdelay $0x1  }
0x33: {  	s11 =	simm.s32 $0x2800  }
0x34: {  	[tilespmem:s11], [sflag:$0x1] =	stream.indirect_vreg.gather [hbm4b:s1+s3], $0x80, v4, vm0, $0xb8;
	[tilespmem:$0x19800] =	vst v63  }
0x35: {  	s9 =	simm.s32 $0x3000  }
0x36: {  	[tilespmem:s9], [sflag:$0x1] =	stream.indirect_vreg.gather [hbm4b:s1+s3], $0x80, v3, vm0, $0xb8;
	[tilespmem:$0x19800] =	vst v63  }
0x37: {  	v3 =	vld [tilespmem:$0x20];
	_ =	sdelay $0x4  }
0x38: {  	v50 =	vshll.u32 v3, $0x1  }
0x39: {  	v3 =	vand.u32 $0x7, v3;
	v4 =	vand.u32 $0xFFFFFFF0, v50  }
0x3a: {  	v3 =	vor.u32 v3, v4  }
0x3b: {  	v4 =	vperm.xlane v3, v0;
	_ =	sdelay $0x1  }
0x3c: {  	v3 =	vperm.xlane v3, v2;
	v4 =	vadd.s32 v1, v4;
	_ =	sdelay $0x1  }
0x3d: {  	v3 =	vadd.s32 v1, v3;
	_ =	sdelay $0x1  }
0x3e: {  	s10 =	simm.s32 $0x3800  }
0x3f: {  	[tilespmem:s10], [sflag:$0x1] =	stream.indirect_vreg.gather [hbm4b:s1+s3], $0x80, v4, vm0, $0xb8;
	[tilespmem:$0x19800] =	vst v63  }
0x40: {  	s11 =	simm.s32 $0x4000  }
0x41: {  	[tilespmem:s11], [sflag:$0x1] =	stream.indirect_vreg.gather [hbm4b:s1+s3], $0x80, v3, vm0, $0xb8;
	[tilespmem:$0x19800] =	vst v63  }
0x42: {  	v3 =	vld [tilespmem:$0x30];
	_ =	sdelay $0x4  }
0x43: {  	v51 =	vshll.u32 v3, $0x1  }
0x44: {  	v3 =	vand.u32 $0x7, v3;
	v4 =	vand.u32 $0xFFFFFFF0, v51  }
0x45: {  	v3 =	vor.u32 v3, v4  }
0x46: {  	v4 =	vperm.xlane v3, v0;
	_ =	sdelay $0x1  }
0x47: {  	v3 =	vperm.xlane v3, v2;
	v4 =	vadd.s32 v1, v4;
	_ =	sdelay $0x1  }
0x48: {  	v3 =	vadd.s32 v1, v3;
	_ =	sdelay $0x1  }
0x49: {  	s9 =	simm.s32 $0x4800  }
0x4a: {  	[tilespmem:s9], [sflag:$0x1] =	stream.indirect_vreg.gather [hbm4b:s1+s3], $0x80, v4, vm0, $0xb8;
	[tilespmem:$0x19800] =	vst v63  }
0x4b: {  	s10 =	simm.s32 $0x5000  }
0x4c: {  	[tilespmem:s10], [sflag:$0x1] =	stream.indirect_vreg.gather [hbm4b:s1+s3], $0x80, v3, vm0, $0xb8;
	[tilespmem:$0x19800] =	vst v63  }
0x4d: {  	v3 =	vld [tilespmem:$0x40];
	_ =	sdelay $0x4  }
0x4e: {  	v52 =	vshll.u32 v3, $0x1  }
0x4f: {  	v3 =	vand.u32 $0x7, v3;
	v4 =	vand.u32 $0xFFFFFFF0, v52  }
0x50: {  	v3 =	vor.u32 v3, v4  }
0x51: {  	v4 =	vperm.xlane v3, v0;
	_ =	sdelay $0x1  }
0x52: {  	v3 =	vperm.xlane v3, v2;
	v4 =	vadd.s32 v1, v4;
	_ =	sdelay $0x1  }
0x53: {  	v3 =	vadd.s32 v1, v3;
	_ =	sdelay $0x1  }
0x54: {  	s11 =	simm.s32 $0x5800  }
0x55: {  	[tilespmem:s11], [sflag:$0x1] =	stream.indirect_vreg.gather [hbm4b:s1+s3], $0x80, v4, vm0, $0xb8;
	[tilespmem:$0x19800] =	vst v63  }
0x56: {  	s9 =	simm.s32 $0x6000  }
0x57: {  	[tilespmem:s9], [sflag:$0x1] =	stream.indirect_vreg.gather [hbm4b:s1+s3], $0x80, v3, vm0, $0xb8;
	[tilespmem:$0x19800] =	vst v63  }
0x58: {  	v3 =	vld [tilespmem:$0x50];
	_ =	sdelay $0x4  }
0x59: {  	v53 =	vshll.u32 v3, $0x1  }
0x5a: {  	v3 =	vand.u32 $0x7, v3;
	v4 =	vand.u32 $0xFFFFFFF0, v53  }
0x5b: {  	v3 =	vor.u32 v3, v4  }
0x5c: {  	v4 =	vperm.xlane v3, v0;
	_ =	sdelay $0x1  }
0x5d: {  	v3 =	vperm.xlane v3, v2;
	v4 =	vadd.s32 v1, v4;
	_ =	sdelay $0x1  }
0x5e: {  	v3 =	vadd.s32 v1, v3;
	_ =	sdelay $0x1  }
0x5f: {  	s10 =	simm.s32 $0x6800  }
0x60: {  	[tilespmem:s10], [sflag:$0x1] =	stream.indirect_vreg.gather [hbm4b:s1+s3], $0x80, v4, vm0, $0xb8;
	[tilespmem:$0x19800] =	vst v63  }
0x61: {  	s11 =	simm.s32 $0x7000  }
0x62: {  	[tilespmem:s11], [sflag:$0x1] =	stream.indirect_vreg.gather [hbm4b:s1+s3], $0x80, v3, vm0, $0xb8;
	[tilespmem:$0x19800] =	vst v63  }
0x63: {  	v3 =	vld [tilespmem:$0x60];
	_ =	sdelay $0x4  }
0x64: {  	v54 =	vshll.u32 v3, $0x1  }
0x65: {  	v3 =	vand.u32 $0x7, v3;
	v4 =	vand.u32 $0xFFFFFFF0, v54  }
0x66: {  	v3 =	vor.u32 v3, v4  }
0x67: {  	v4 =	vperm.xlane v3, v0;
	_ =	sdelay $0x1  }
0x68: {  	v3 =	vperm.xlane v3, v2;
	v4 =	vadd.s32 v1, v4;
	_ =	sdelay $0x1  }
0x69: {  	v3 =	vadd.s32 v1, v3;
	_ =	sdelay $0x1  }
0x6a: {  	s9 =	simm.s32 $0x7800  }
0x6b: {  	[tilespmem:s9], [sflag:$0x1] =	stream.indirect_vreg.gather [hbm4b:s1+s3], $0x80, v4, vm0, $0xb8;
	[tilespmem:$0x19800] =	vst v63  }
0x6c: {  	s10 =	simm.s32 $0x8000  }
0x6d: {  	[tilespmem:s10], [sflag:$0x1] =	stream.indirect_vreg.gather [hbm4b:s1+s3], $0x80, v3, vm0, $0xb8;
	[tilespmem:$0x19800] =	vst v63  }
0x6e: {  	v3 =	vld [tilespmem:$0x70];
	_ =	sdelay $0x4  }
0x6f: {  	v55 =	vshll.u32 v3, $0x1  }
0x70: {  	v3 =	vand.u32 $0x7, v3;
	v4 =	vand.u32 $0xFFFFFFF0, v55  }
0x71: {  	v3 =	vor.u32 v3, v4  }
0x72: {  	v4 =	vperm.xlane v3, v0;
	_ =	sdelay $0x1  }
0x73: {  	v3 =	vperm.xlane v3, v2;
	v4 =	vadd.s32 v1, v4;
	_ =	sdelay $0x1  }
0x74: {  	v3 =	vadd.s32 v1, v3;
	_ =	sdelay $0x1  }
0x75: {  	s11 =	simm.s32 $0x8800  }
0x76: {  	[tilespmem:s11], [sflag:$0x1] =	stream.indirect_vreg.gather [hbm4b:s1+s3], $0x80, v4, vm0, $0xb8;
	[tilespmem:$0x19800] =	vst v63  }
0x77: {  	s9 =	simm.s32 $0x9000  }
0x78: {  	[tilespmem:s9], [sflag:$0x1] =	stream.indirect_vreg.gather [hbm4b:s1+s3], $0x80, v3, vm0, $0xb8;
	[tilespmem:$0x19800] =	vst v63  }
0x79: {  	v3 =	vld [tilespmem:$0x80];
	_ =	sdelay $0x4  }
0x7a: {  	v56 =	vshll.u32 v3, $0x1  }
0x7b: {  	v3 =	vand.u32 $0x7, v3;
	v4 =	vand.u32 $0xFFFFFFF0, v56  }
0x7c: {  	v3 =	vor.u32 v3, v4  }
0x7d: {  	v4 =	vperm.xlane v3, v0;
	_ =	sdelay $0x1  }
0x7e: {  	v3 =	vperm.xlane v3, v2;
	v4 =	vadd.s32 v1, v4;
	_ =	sdelay $0x1  }
0x7f: {  	v3 =	vadd.s32 v1, v3;
	_ =	sdelay $0x2  }
0x80: {  	[tilespmem:s24], [sflag:$0x2] =	stream.indirect_vreg.gather [hbm4b:s1+s3], $0x80, v4, vm0, $0xb8;
	[tilespmem:$0x19800] =	vst v63  }
0x81: {  	s10 =	simm.s32 $0xA000  }
0x82: {  	[tilespmem:s10], [sflag:$0x2] =	stream.indirect_vreg.gather [hbm4b:s1+s3], $0x80, v3, vm0, $0xb8;
	[tilespmem:$0x19800] =	vst v63  }
0x83: {  	v3 =	vld [tilespmem:$0x90];
	_ =	sdelay $0x4  }
0x84: {  	v57 =	vshll.u32 v3, $0x1  }
0x85: {  	v3 =	vand.u32 $0x7, v3;
	v4 =	vand.u32 $0xFFFFFFF0, v57  }
0x86: {  	v3 =	vor.u32 v3, v4  }
0x87: {  	v4 =	vperm.xlane v3, v0;
	_ =	sdelay $0x1  }
0x88: {  	v3 =	vperm.xlane v3, v2;
	v4 =	vadd.s32 v1, v4;
	_ =	sdelay $0x1  }
0x89: {  	v3 =	vadd.s32 v1, v3;
	_ =	sdelay $0x1  }
0x8a: {  	s11 =	simm.s32 $0xA800  }
0x8b: {  	[tilespmem:s11], [sflag:$0x2] =	stream.indirect_vreg.gather [hbm4b:s1+s3], $0x80, v4, vm0, $0xb8;
	[tilespmem:$0x19800] =	vst v63  }
0x8c: {  	s9 =	simm.s32 $0xB000  }
0x8d: {  	[tilespmem:s9], [sflag:$0x2] =	stream.indirect_vreg.gather [hbm4b:s1+s3], $0x80, v3, vm0, $0xb8;
	[tilespmem:$0x19800] =	vst v63  }
0x8e: {  	v3 =	vld [tilespmem:$0xA0];
	_ =	sdelay $0x4  }
0x8f: {  	v58 =	vshll.u32 v3, $0x1  }
0x90: {  	v3 =	vand.u32 $0x7, v3;
	v4 =	vand.u32 $0xFFFFFFF0, v58  }
0x91: {  	v3 =	vor.u32 v3, v4  }
0x92: {  	v4 =	vperm.xlane v3, v0;
	_ =	sdelay $0x1  }
0x93: {  	v3 =	vperm.xlane v3, v2;
	v4 =	vadd.s32 v1, v4;
	_ =	sdelay $0x1  }
0x94: {  	v3 =	vadd.s32 v1, v3;
	_ =	sdelay $0x1  }
0x95: {  	s10 =	simm.s32 $0xB800  }
0x96: {  	[tilespmem:s10], [sflag:$0x2] =	stream.indirect_vreg.gather [hbm4b:s1+s3], $0x80, v4, vm0, $0xb8;
	[tilespmem:$0x19800] =	vst v63  }
0x97: {  	s11 =	simm.s32 $0xC000  }
0x98: {  	[tilespmem:s11], [sflag:$0x2] =	stream.indirect_vreg.gather [hbm4b:s1+s3], $0x80, v3, vm0, $0xb8;
	[tilespmem:$0x19800] =	vst v63  }
0x99: {  	v3 =	vld [tilespmem:$0xB0];
	_ =	sdelay $0x4  }
0x9a: {  	v59 =	vshll.u32 v3, $0x1  }
0x9b: {  	v3 =	vand.u32 $0x7, v3;
	v4 =	vand.u32 $0xFFFFFFF0, v59  }
0x9c: {  	v3 =	vor.u32 v3, v4  }
0x9d: {  	v4 =	vperm.xlane v3, v0;
	_ =	sdelay $0x1  }
0x9e: {  	v3 =	vperm.xlane v3, v2;
	v4 =	vadd.s32 v1, v4;
	_ =	sdelay $0x1  }
0x9f: {  	v3 =	vadd.s32 v1, v3;
	_ =	sdelay $0x1  }
0xa0: {  	s9 =	simm.s32 $0xC800  }
0xa1: {  	[tilespmem:s9], [sflag:$0x2] =	stream.indirect_vreg.gather [hbm4b:s1+s3], $0x80, v4, vm0, $0xb8;
	[tilespmem:$0x19800] =	vst v63  }
0xa2: {  	s10 =	simm.s32 $0xD000  }
0xa3: {  	[tilespmem:s10], [sflag:$0x2] =	stream.indirect_vreg.gather [hbm4b:s1+s3], $0x80, v3, vm0, $0xb8;
	[tilespmem:$0x19800] =	vst v63  }
0xa4: {  	v3 =	vld [tilespmem:$0xC0];
	_ =	sdelay $0x4  }
0xa5: {  	v60 =	vshll.u32 v3, $0x1  }
0xa6: {  	v3 =	vand.u32 $0x7, v3;
	v4 =	vand.u32 $0xFFFFFFF0, v60  }
0xa7: {  	v3 =	vor.u32 v3, v4  }
0xa8: {  	v4 =	vperm.xlane v3, v0;
	_ =	sdelay $0x1  }
0xa9: {  	v3 =	vperm.xlane v3, v2;
	v4 =	vadd.s32 v1, v4;
	_ =	sdelay $0x1  }
0xaa: {  	v3 =	vadd.s32 v1, v3;
	_ =	sdelay $0x1  }
0xab: {  	s11 =	simm.s32 $0xD800  }
0xac: {  	[tilespmem:s11], [sflag:$0x2] =	stream.indirect_vreg.gather [hbm4b:s1+s3], $0x80, v4, vm0, $0xb8;
	[tilespmem:$0x19800] =	vst v63  }
0xad: {  	s9 =	simm.s32 $0xE000  }
0xae: {  	[tilespmem:s9], [sflag:$0x2] =	stream.indirect_vreg.gather [hbm4b:s1+s3], $0x80, v3, vm0, $0xb8;
	[tilespmem:$0x19800] =	vst v63  }
0xaf: {  	v3 =	vld [tilespmem:$0xD0];
	_ =	sdelay $0x4  }
0xb0: {  	v61 =	vshll.u32 v3, $0x1  }
0xb1: {  	v3 =	vand.u32 $0x7, v3;
	v4 =	vand.u32 $0xFFFFFFF0, v61  }
0xb2: {  	v3 =	vor.u32 v3, v4  }
0xb3: {  	v4 =	vperm.xlane v3, v0;
	_ =	sdelay $0x1  }
0xb4: {  	v3 =	vperm.xlane v3, v2;
	v4 =	vadd.s32 v1, v4;
	_ =	sdelay $0x1  }
0xb5: {  	v3 =	vadd.s32 v1, v3;
	_ =	sdelay $0x1  }
0xb6: {  	s10 =	simm.s32 $0xE800  }
0xb7: {  	[tilespmem:s10], [sflag:$0x2] =	stream.indirect_vreg.gather [hbm4b:s1+s3], $0x80, v4, vm0, $0xb8;
	[tilespmem:$0x19800] =	vst v63  }
0xb8: {  	s11 =	simm.s32 $0xF000  }
0xb9: {  	[tilespmem:s11], [sflag:$0x2] =	stream.indirect_vreg.gather [hbm4b:s1+s3], $0x80, v3, vm0, $0xb8;
	[tilespmem:$0x19800] =	vst v63  }
0xba: {  	v3 =	vld [tilespmem:$0xE0];
	_ =	sdelay $0x4  }
0xbb: {  	v62 =	vshll.u32 v3, $0x1  }
0xbc: {  	v3 =	vand.u32 $0x7, v3;
	v4 =	vand.u32 $0xFFFFFFF0, v62  }
0xbd: {  	v3 =	vor.u32 v3, v4  }
0xbe: {  	v4 =	vperm.xlane v3, v0;
	_ =	sdelay $0x1  }
0xbf: {  	v3 =	vperm.xlane v3, v2;
	v4 =	vadd.s32 v1, v4;
	_ =	sdelay $0x1  }
0xc0: {  	v3 =	vadd.s32 v1, v3;
	_ =	sdelay $0x1  }
0xc1: {  	s9 =	simm.s32 $0xF800  }
0xc2: {  	[tilespmem:s9], [sflag:$0x2] =	stream.indirect_vreg.gather [hbm4b:s1+s3], $0x80, v4, vm0, $0xb8;
	[tilespmem:$0x19800] =	vst v63  }
0xc3: {  	s10 =	simm.s32 $0x10000  }
0xc4: {  	[tilespmem:s10], [sflag:$0x2] =	stream.indirect_vreg.gather [hbm4b:s1+s3], $0x80, v3, vm0, $0xb8;
	[tilespmem:$0x19800] =	vst v63  }
0xc5: {  	v3 =	vld [tilespmem:$0xF0];
	_ =	sdelay $0x4  }
0xc6: {  	v63 =	vshll.u32 v3, $0x1  }
0xc7: {  	v3 =	vand.u32 $0x7, v3;
	v4 =	vand.u32 $0xFFFFFFF0, v63  }
0xc8: {  	v3 =	vor.u32 v3, v4  }
0xc9: {  	v4 =	vperm.xlane v3, v0;
	_ =	sdelay $0x1  }
0xca: {  	v3 =	vperm.xlane v3, v2;
	v4 =	vadd.s32 v1, v4;
	_ =	sdelay $0x1  }
0xcb: {  	v3 =	vadd.s32 v1, v3;
	_ =	sdelay $0x1  }
0xcc: {  	s11 =	simm.s32 $0x10800  }
0xcd: {  	[tilespmem:s11], [sflag:$0x2] =	stream.indirect_vreg.gather [hbm4b:s1+s3], $0x80, v4, vm0, $0xb8;
	[tilespmem:$0x19800] =	vst v63  }
0xce: {  	s7 =	simm.s32 $0x140;
	s9 =	simm.s32 $0x0  }
0xcf: {  	[tilespmem:s12], [sflag:$0x2] =	stream.indirect_vreg.gather [hbm4b:s1+s3], $0x80, v3, vm0, $0xb8;
	[tilespmem:$0x19800] =	vst v63  }
.LBB2_2:
0xd0: {  	_ =	swait.ge [sflag:s13], $0x8000  }
0xd1: {  	p0 =	seq.s32 s9, $0x0;
	[sflag:s13] =	ssyncset.done $0x0  }
0xd2: {  	s10 =	sadd.s32 s9, s6;
	s11 =	simm.s32 @!p0 $0x6;
	[sflag:s13] =	ssyncadd.s32 $0xFFFF8000  }
0xd3: {  	[hbm4b:s10+s3] =	stream.linear.scatter [tilespmem:s8], [sflag:$0x4], $0x8000, $0x38;
	[tilespmem:$0x19800] =	vst v63  }
0xd4: {  	_ =	swait.ge @!p0 [sflag:s11], $0x8000  }
0xd5: {  	[sflag:s11] =	ssyncset.done @!p0 $0x0  }
0xd6: {  	[sflag:s11] =	ssyncadd.s32 @!p0 $0xFFFF8000  }
0xd7: {  	v3 =	vld [tilespmem:s7+$0xFFFFFFC0];
	_ =	sdelay $0x4  }
0xd8: {  	v4 =	vshll.u32 v3, $0x1  }
0xd9: {  	v3 =	vand.u32 $0x7, v3;
	v4 =	vand.u32 $0xFFFFFFF0, v4  }
0xda: {  	v3 =	vor.u32 v3, v4  }
0xdb: {  	v4 =	vperm.xlane v3, v0;
	_ =	sdelay $0x1  }
0xdc: {  	v3 =	vperm.xlane v3, v2;
	v4 =	vadd.s32 v1, v4;
	_ =	sdelay $0x1  }
0xdd: {  	v3 =	vadd.s32 v1, v3;
	_ =	sdelay $0x2  }
0xde: {  	[tilespmem:s14], [sflag:$0x3] =	stream.indirect_vreg.gather [hbm4b:s1+s3], $0x80, v4, vm0, $0xb8;
	[tilespmem:$0x19800] =	vst v63  }
0xdf: {  	_ = 	snop  }
0xe0: {  	[tilespmem:s15], [sflag:$0x3] =	stream.indirect_vreg.gather [hbm4b:s1+s3], $0x80, v3, vm0, $0xb8;
	[tilespmem:$0x19800] =	vst v63  }
0xe1: {  	v3 =	vld [tilespmem:s7+$0xFFFFFFD0];
	_ =	sdelay $0x4  }
0xe2: {  	v57 =	vshll.u32 v3, $0x1  }
0xe3: {  	v3 =	vand.u32 $0x7, v3;
	v4 =	vand.u32 $0xFFFFFFF0, v57  }
0xe4: {  	v3 =	vor.u32 v3, v4  }
0xe5: {  	v4 =	vperm.xlane v3, v0;
	_ =	sdelay $0x1  }
0xe6: {  	v3 =	vperm.xlane v3, v2;
	v4 =	vadd.s32 v1, v4;
	_ =	sdelay $0x1  }
0xe7: {  	v3 =	vadd.s32 v1, v3;
	_ =	sdelay $0x2  }
0xe8: {  	[tilespmem:s16], [sflag:$0x3] =	stream.indirect_vreg.gather [hbm4b:s1+s3], $0x80, v4, vm0, $0xb8;
	[tilespmem:$0x19800] =	vst v63  }
0xe9: {  	_ = 	snop  }
0xea: {  	[tilespmem:s17], [sflag:$0x3] =	stream.indirect_vreg.gather [hbm4b:s1+s3], $0x80, v3, vm0, $0xb8;
	[tilespmem:$0x19800] =	vst v63  }
0xeb: {  	v3 =	vld [tilespmem:s7+$0xFFFFFFE0];
	_ =	sdelay $0x4  }
0xec: {  	v58 =	vshll.u32 v3, $0x1  }
0xed: {  	v3 =	vand.u32 $0x7, v3;
	v4 =	vand.u32 $0xFFFFFFF0, v58  }
0xee: {  	v3 =	vor.u32 v3, v4  }
0xef: {  	v4 =	vperm.xlane v3, v0;
	_ =	sdelay $0x1  }
0xf0: {  	v3 =	vperm.xlane v3, v2;
	v4 =	vadd.s32 v1, v4;
	_ =	sdelay $0x1  }
0xf1: {  	v3 =	vadd.s32 v1, v3;
	_ =	sdelay $0x2  }
0xf2: {  	[tilespmem:s18], [sflag:$0x3] =	stream.indirect_vreg.gather [hbm4b:s1+s3], $0x80, v4, vm0, $0xb8;
	[tilespmem:$0x19800] =	vst v63  }
0xf3: {  	_ = 	snop  }
0xf4: {  	[tilespmem:s19], [sflag:$0x3] =	stream.indirect_vreg.gather [hbm4b:s1+s3], $0x80, v3, vm0, $0xb8;
	[tilespmem:$0x19800] =	vst v63  }
0xf5: {  	v3 =	vld [tilespmem:s7+$0xFFFFFFF0];
	_ =	sdelay $0x4  }
0xf6: {  	v59 =	vshll.u32 v3, $0x1  }
0xf7: {  	v3 =	vand.u32 $0x7, v3;
	v4 =	vand.u32 $0xFFFFFFF0, v59  }
0xf8: {  	v3 =	vor.u32 v3, v4  }
0xf9: {  	v4 =	vperm.xlane v3, v0;
	_ =	sdelay $0x1  }
0xfa: {  	v3 =	vperm.xlane v3, v2;
	v4 =	vadd.s32 v1, v4;
	_ =	sdelay $0x1  }
0xfb: {  	v3 =	vadd.s32 v1, v3;
	_ =	sdelay $0x2  }
0xfc: {  	[tilespmem:s20], [sflag:$0x3] =	stream.indirect_vreg.gather [hbm4b:s1+s3], $0x80, v4, vm0, $0xb8;
	[tilespmem:$0x19800] =	vst v63  }
0xfd: {  	_ = 	snop  }
0xfe: {  	[tilespmem:s21], [sflag:$0x3] =	stream.indirect_vreg.gather [hbm4b:s1+s3], $0x80, v3, vm0, $0xb8;
	[tilespmem:$0x19800] =	vst v63  }
0xff: {  	v3 =	vld [tilespmem:s7+$0x0];
	_ =	sdelay $0x4  }
0x100: {  	v60 =	vshll.u32 v3, $0x1  }
0x101: {  	v3 =	vand.u32 $0x7, v3;
	v4 =	vand.u32 $0xFFFFFFF0, v60  }
0x102: {  	v3 =	vor.u32 v3, v4  }
0x103: {  	v4 =	vperm.xlane v3, v0;
	_ =	sdelay $0x1  }
0x104: {  	v3 =	vperm.xlane v3, v2;
	v4 =	vadd.s32 v1, v4;
	_ =	sdelay $0x1  }
0x105: {  	v3 =	vadd.s32 v1, v3;
	_ =	sdelay $0x2  }
0x106: {  	[tilespmem:s22], [sflag:$0x3] =	stream.indirect_vreg.gather [hbm4b:s1+s3], $0x80, v4, vm0, $0xb8;
	[tilespmem:$0x19800] =	vst v63  }
0x107: {  	_ = 	snop  }
0x108: {  	[tilespmem:s23], [sflag:$0x3] =	stream.indirect_vreg.gather [hbm4b:s1+s3], $0x80, v3, vm0, $0xb8;
	[tilespmem:$0x19800] =	vst v63  }
0x109: {  	v3 =	vld [tilespmem:s7+$0x10];
	_ =	sdelay $0x4  }
0x10a: {  	v61 =	vshll.u32 v3, $0x1  }
0x10b: {  	v3 =	vand.u32 $0x7, v3;
	v4 =	vand.u32 $0xFFFFFFF0, v61  }
0x10c: {  	v3 =	vor.u32 v3, v4  }
0x10d: {  	v4 =	vperm.xlane v3, v0;
	_ =	sdelay $0x1  }
0x10e: {  	v3 =	vperm.xlane v3, v2;
	v4 =	vadd.s32 v1, v4;
	_ =	sdelay $0x1  }
0x10f: {  	v3 =	vadd.s32 v1, v3;
	_ =	sdelay $0x2  }
0x110: {  	[tilespmem:s25], [sflag:$0x3] =	stream.indirect_vreg.gather [hbm4b:s1+s3], $0x80, v4, vm0, $0xb8;
	[tilespmem:$0x19800] =	vst v63  }
0x111: {  	_ = 	snop  }
0x112: {  	[tilespmem:s26], [sflag:$0x3] =	stream.indirect_vreg.gather [hbm4b:s1+s3], $0x80, v3, vm0, $0xb8;
	[tilespmem:$0x19800] =	vst v63  }
0x113: {  	v3 =	vld [tilespmem:s7+$0x20];
	_ =	sdelay $0x4  }
0x114: {  	v62 =	vshll.u32 v3, $0x1  }
0x115: {  	v3 =	vand.u32 $0x7, v3;
	v4 =	vand.u32 $0xFFFFFFF0, v62  }
0x116: {  	v3 =	vor.u32 v3, v4  }
0x117: {  	v4 =	vperm.xlane v3, v0;
	_ =	sdelay $0x1  }
0x118: {  	v3 =	vperm.xlane v3, v2;
	v4 =	vadd.s32 v1, v4;
	_ =	sdelay $0x1  }
0x119: {  	v3 =	vadd.s32 v1, v3;
	_ =	sdelay $0x2  }
0x11a: {  	[tilespmem:s28], [sflag:$0x3] =	stream.indirect_vreg.gather [hbm4b:s1+s3], $0x80, v4, vm0, $0xb8;
	[tilespmem:$0x19800] =	vst v63  }
0x11b: {  	_ = 	snop  }
0x11c: {  	[tilespmem:s29], [sflag:$0x3] =	stream.indirect_vreg.gather [hbm4b:s1+s3], $0x80, v3, vm0, $0xb8;
	[tilespmem:$0x19800] =	vst v63  }
0x11d: {  	v3 =	vld [tilespmem:s7+$0x30];
	_ =	sdelay $0x4  }
0x11e: {  	v63 =	vshll.u32 v3, $0x1  }
0x11f: {  	v3 =	vand.u32 $0x7, v3;
	v4 =	vand.u32 $0xFFFFFFF0, v63  }
0x120: {  	v3 =	vor.u32 v3, v4  }
0x121: {  	v4 =	vperm.xlane v3, v0;
	_ =	sdelay $0x1  }
0x122: {  	v3 =	vperm.xlane v3, v2;
	v4 =	vadd.s32 v1, v4;
	_ =	sdelay $0x1  }
0x123: {  	v3 =	vadd.s32 v1, v3;
	_ =	sdelay $0x2  }
0x124: {  	[tilespmem:s30], [sflag:$0x3] =	stream.indirect_vreg.gather [hbm4b:s1+s3], $0x80, v4, vm0, $0xb8;
	[tilespmem:$0x19800] =	vst v63  }
0x125: {  	_ = 	snop  }
0x126: {  	[tilespmem:s31], [sflag:$0x3] =	stream.indirect_vreg.gather [hbm4b:s1+s3], $0x80, v3, vm0, $0xb8;
	[tilespmem:$0x19800] =	vst v63  }
0x127: {  	_ =	swait.ge [sflag:s2], $0x8000  }
0x128: {  	p0 =	seq.s32 s9, $0x2D000;
	[sflag:s2] =	ssyncset.done $0x0  }
.Ltmp2:
0x129: {  	s11 =	sadd.s32 $0x1000, s10;
	[sflag:s2] =	ssyncadd.s32 $0xFFFF8000;
	(pc) =	sbr.rel @p0 .LBB2_4-.Ltmp2, $4  }
0x12a: {  	[hbm4b:s11+s3] =	stream.linear.scatter [tilespmem:s24], [sflag:$0x5], $0x8000, $0x38;
	[tilespmem:$0x19800] =	vst v63  }
0x12b: {  	_ =	swait.ge [sflag:s0], $0x8000  }
0x12c: {  	[sflag:s0] =	ssyncset.done $0x0  }
0x12d: {  	[sflag:s0] =	ssyncadd.s32 $0xFFFF8000  }
0x12e: {  	v3 =	vld [tilespmem:s7+$0x40];
	_ =	sdelay $0x4  }
0x12f: {  	v4 =	vshll.u32 v3, $0x1  }
0x130: {  	v3 =	vand.u32 $0x7, v3;
	v4 =	vand.u32 $0xFFFFFFF0, v4  }
0x131: {  	v3 =	vor.u32 v3, v4  }
0x132: {  	v4 =	vperm.xlane v3, v0;
	_ =	sdelay $0x1  }
0x133: {  	v3 =	vperm.xlane v3, v2;
	v4 =	vadd.s32 v1, v4;
	_ =	sdelay $0x1  }
0x134: {  	v3 =	vadd.s32 v1, v3;
	_ =	sdelay $0x2  }
0x135: {  	[tilespmem:s8], [sflag:$0x1] =	stream.indirect_vreg.gather [hbm4b:s1+s3], $0x80, v4, vm0, $0xb8;
	[tilespmem:$0x19800] =	vst v63  }
0x136: {  	s11 =	simm.s32 $0x2000  }
0x137: {  	[tilespmem:s11], [sflag:$0x1] =	stream.indirect_vreg.gather [hbm4b:s1+s3], $0x80, v3, vm0, $0xb8;
	[tilespmem:$0x19800] =	vst v63  }
0x138: {  	v3 =	vld [tilespmem:s7+$0x50];
	_ =	sdelay $0x4  }
0x139: {  	v57 =	vshll.u32 v3, $0x1  }
0x13a: {  	v3 =	vand.u32 $0x7, v3;
	v4 =	vand.u32 $0xFFFFFFF0, v57  }
0x13b: {  	v3 =	vor.u32 v3, v4  }
0x13c: {  	v4 =	vperm.xlane v3, v0;
	_ =	sdelay $0x1  }
0x13d: {  	v3 =	vperm.xlane v3, v2;
	v4 =	vadd.s32 v1, v4;
	_ =	sdelay $0x1  }
0x13e: {  	v3 =	vadd.s32 v1, v3;
	_ =	sdelay $0x1  }
0x13f: {  	s11 =	simm.s32 $0x2800  }
0x140: {  	[tilespmem:s11], [sflag:$0x1] =	stream.indirect_vreg.gather [hbm4b:s1+s3], $0x80, v4, vm0, $0xb8;
	[tilespmem:$0x19800] =	vst v63  }
0x141: {  	s11 =	simm.s32 $0x3000  }
0x142: {  	[tilespmem:s11], [sflag:$0x1] =	stream.indirect_vreg.gather [hbm4b:s1+s3], $0x80, v3, vm0, $0xb8;
	[tilespmem:$0x19800] =	vst v63  }
0x143: {  	v3 =	vld [tilespmem:s7+$0x60];
	_ =	sdelay $0x4  }
0x144: {  	v58 =	vshll.u32 v3, $0x1  }
0x145: {  	v3 =	vand.u32 $0x7, v3;
	v4 =	vand.u32 $0xFFFFFFF0, v58  }
0x146: {  	v3 =	vor.u32 v3, v4  }
0x147: {  	v4 =	vperm.xlane v3, v0;
	_ =	sdelay $0x1  }
0x148: {  	v3 =	vperm.xlane v3, v2;
	v4 =	vadd.s32 v1, v4;
	_ =	sdelay $0x1  }
0x149: {  	v3 =	vadd.s32 v1, v3;
	_ =	sdelay $0x1  }
0x14a: {  	s11 =	simm.s32 $0x3800  }
0x14b: {  	[tilespmem:s11], [sflag:$0x1] =	stream.indirect_vreg.gather [hbm4b:s1+s3], $0x80, v4, vm0, $0xb8;
	[tilespmem:$0x19800] =	vst v63  }
0x14c: {  	s11 =	simm.s32 $0x4000  }
0x14d: {  	[tilespmem:s11], [sflag:$0x1] =	stream.indirect_vreg.gather [hbm4b:s1+s3], $0x80, v3, vm0, $0xb8;
	[tilespmem:$0x19800] =	vst v63  }
0x14e: {  	v3 =	vld [tilespmem:s7+$0x70];
	_ =	sdelay $0x4  }
0x14f: {  	v59 =	vshll.u32 v3, $0x1  }
0x150: {  	v3 =	vand.u32 $0x7, v3;
	v4 =	vand.u32 $0xFFFFFFF0, v59  }
0x151: {  	v3 =	vor.u32 v3, v4  }
0x152: {  	v4 =	vperm.xlane v3, v0;
	_ =	sdelay $0x1  }
0x153: {  	v3 =	vperm.xlane v3, v2;
	v4 =	vadd.s32 v1, v4;
	_ =	sdelay $0x1  }
0x154: {  	v3 =	vadd.s32 v1, v3;
	_ =	sdelay $0x1  }
0x155: {  	s11 =	simm.s32 $0x4800  }
0x156: {  	[tilespmem:s11], [sflag:$0x1] =	stream.indirect_vreg.gather [hbm4b:s1+s3], $0x80, v4, vm0, $0xb8;
	[tilespmem:$0x19800] =	vst v63  }
0x157: {  	s11 =	simm.s32 $0x5000  }
0x158: {  	[tilespmem:s11], [sflag:$0x1] =	stream.indirect_vreg.gather [hbm4b:s1+s3], $0x80, v3, vm0, $0xb8;
	[tilespmem:$0x19800] =	vst v63  }
0x159: {  	v3 =	vld [tilespmem:s7+$0x80];
	_ =	sdelay $0x4  }
0x15a: {  	v60 =	vshll.u32 v3, $0x1  }
0x15b: {  	v3 =	vand.u32 $0x7, v3;
	v4 =	vand.u32 $0xFFFFFFF0, v60  }
0x15c: {  	v3 =	vor.u32 v3, v4  }
0x15d: {  	v4 =	vperm.xlane v3, v0;
	_ =	sdelay $0x1  }
0x15e: {  	v3 =	vperm.xlane v3, v2;
	v4 =	vadd.s32 v1, v4;
	_ =	sdelay $0x1  }
0x15f: {  	v3 =	vadd.s32 v1, v3;
	_ =	sdelay $0x1  }
0x160: {  	s11 =	simm.s32 $0x5800  }
0x161: {  	[tilespmem:s11], [sflag:$0x1] =	stream.indirect_vreg.gather [hbm4b:s1+s3], $0x80, v4, vm0, $0xb8;
	[tilespmem:$0x19800] =	vst v63  }
0x162: {  	s11 =	simm.s32 $0x6000  }
0x163: {  	[tilespmem:s11], [sflag:$0x1] =	stream.indirect_vreg.gather [hbm4b:s1+s3], $0x80, v3, vm0, $0xb8;
	[tilespmem:$0x19800] =	vst v63  }
0x164: {  	v3 =	vld [tilespmem:s7+$0x90];
	_ =	sdelay $0x4  }
0x165: {  	v61 =	vshll.u32 v3, $0x1  }
0x166: {  	v3 =	vand.u32 $0x7, v3;
	v4 =	vand.u32 $0xFFFFFFF0, v61  }
0x167: {  	v3 =	vor.u32 v3, v4  }
0x168: {  	v4 =	vperm.xlane v3, v0;
	_ =	sdelay $0x1  }
0x169: {  	v3 =	vperm.xlane v3, v2;
	v4 =	vadd.s32 v1, v4;
	_ =	sdelay $0x1  }
0x16a: {  	v3 =	vadd.s32 v1, v3;
	_ =	sdelay $0x1  }
0x16b: {  	s11 =	simm.s32 $0x6800  }
0x16c: {  	[tilespmem:s11], [sflag:$0x1] =	stream.indirect_vreg.gather [hbm4b:s1+s3], $0x80, v4, vm0, $0xb8;
	[tilespmem:$0x19800] =	vst v63  }
0x16d: {  	s11 =	simm.s32 $0x7000  }
0x16e: {  	[tilespmem:s11], [sflag:$0x1] =	stream.indirect_vreg.gather [hbm4b:s1+s3], $0x80, v3, vm0, $0xb8;
	[tilespmem:$0x19800] =	vst v63  }
0x16f: {  	v3 =	vld [tilespmem:s7+$0xA0];
	_ =	sdelay $0x4  }
0x170: {  	v62 =	vshll.u32 v3, $0x1  }
0x171: {  	v3 =	vand.u32 $0x7, v3;
	v4 =	vand.u32 $0xFFFFFFF0, v62  }
0x172: {  	v3 =	vor.u32 v3, v4  }
0x173: {  	v4 =	vperm.xlane v3, v0;
	_ =	sdelay $0x1  }
0x174: {  	v3 =	vperm.xlane v3, v2;
	v4 =	vadd.s32 v1, v4;
	_ =	sdelay $0x1  }
0x175: {  	v3 =	vadd.s32 v1, v3;
	_ =	sdelay $0x1  }
0x176: {  	s11 =	simm.s32 $0x7800  }
0x177: {  	[tilespmem:s11], [sflag:$0x1] =	stream.indirect_vreg.gather [hbm4b:s1+s3], $0x80, v4, vm0, $0xb8;
	[tilespmem:$0x19800] =	vst v63  }
0x178: {  	s11 =	simm.s32 $0x8000  }
0x179: {  	[tilespmem:s11], [sflag:$0x1] =	stream.indirect_vreg.gather [hbm4b:s1+s3], $0x80, v3, vm0, $0xb8;
	[tilespmem:$0x19800] =	vst v63  }
0x17a: {  	v3 =	vld [tilespmem:s7+$0xB0];
	_ =	sdelay $0x4  }
0x17b: {  	v63 =	vshll.u32 v3, $0x1  }
0x17c: {  	v3 =	vand.u32 $0x7, v3;
	v4 =	vand.u32 $0xFFFFFFF0, v63  }
0x17d: {  	v3 =	vor.u32 v3, v4  }
0x17e: {  	v4 =	vperm.xlane v3, v0;
	_ =	sdelay $0x1  }
0x17f: {  	v3 =	vperm.xlane v3, v2;
	v4 =	vadd.s32 v1, v4;
	_ =	sdelay $0x1  }
0x180: {  	v3 =	vadd.s32 v1, v3;
	_ =	sdelay $0x1  }
0x181: {  	s11 =	simm.s32 $0x8800  }
0x182: {  	[tilespmem:s11], [sflag:$0x1] =	stream.indirect_vreg.gather [hbm4b:s1+s3], $0x80, v4, vm0, $0xb8;
	[tilespmem:$0x19800] =	vst v63  }
0x183: {  	s11 =	simm.s32 $0x9000  }
0x184: {  	[tilespmem:s11], [sflag:$0x1] =	stream.indirect_vreg.gather [hbm4b:s1+s3], $0x80, v3, vm0, $0xb8;
	[tilespmem:$0x19800] =	vst v63  }
.LBB2_4:
0x185: {  	_ =	swait.ge [sflag:s4], $0x8000  }
0x186: {  	[sflag:s4] =	ssyncset.done $0x0  }
.Ltmp3:
0x187: {  	s10 =	sadd.s32 $0x2000, s10;
	[sflag:s4] =	ssyncadd.s32 $0xFFFF8000;
	(pc) =	sbr.rel @p0 .LBB2_6-.Ltmp3, $4  }
0x188: {  	[hbm4b:s10+s3] =	stream.linear.scatter [tilespmem:s14], [sflag:$0x6], $0x8000, $0x38;
	[tilespmem:$0x19800] =	vst v63  }
0x189: {  	_ =	swait.ge [sflag:s5], $0x8000  }
0x18a: {  	[sflag:s5] =	ssyncset.done $0x0  }
0x18b: {  	[sflag:s5] =	ssyncadd.s32 $0xFFFF8000  }
0x18c: {  	v3 =	vld [tilespmem:s7+$0xC0];
	_ =	sdelay $0x4  }
0x18d: {  	v4 =	vshll.u32 v3, $0x1  }
0x18e: {  	v3 =	vand.u32 $0x7, v3;
	v4 =	vand.u32 $0xFFFFFFF0, v4  }
0x18f: {  	v3 =	vor.u32 v3, v4  }
0x190: {  	v4 =	vperm.xlane v3, v0;
	_ =	sdelay $0x1  }
0x191: {  	v3 =	vperm.xlane v3, v2;
	v4 =	vadd.s32 v1, v4;
	_ =	sdelay $0x1  }
0x192: {  	v3 =	vadd.s32 v1, v3;
	_ =	sdelay $0x2  }
0x193: {  	[tilespmem:s24], [sflag:$0x2] =	stream.indirect_vreg.gather [hbm4b:s1+s3], $0x80, v4, vm0, $0xb8;
	[tilespmem:$0x19800] =	vst v63  }
0x194: {  	s10 =	simm.s32 $0xA000  }
0x195: {  	[tilespmem:s10], [sflag:$0x2] =	stream.indirect_vreg.gather [hbm4b:s1+s3], $0x80, v3, vm0, $0xb8;
	[tilespmem:$0x19800] =	vst v63  }
0x196: {  	v3 =	vld [tilespmem:s7+$0xD0];
	_ =	sdelay $0x4  }
0x197: {  	v57 =	vshll.u32 v3, $0x1  }
0x198: {  	v3 =	vand.u32 $0x7, v3;
	v4 =	vand.u32 $0xFFFFFFF0, v57  }
0x199: {  	v3 =	vor.u32 v3, v4  }
0x19a: {  	v4 =	vperm.xlane v3, v0;
	_ =	sdelay $0x1  }
0x19b: {  	v3 =	vperm.xlane v3, v2;
	v4 =	vadd.s32 v1, v4;
	_ =	sdelay $0x1  }
0x19c: {  	v3 =	vadd.s32 v1, v3;
	_ =	sdelay $0x1  }
0x19d: {  	s11 =	simm.s32 $0xA800  }
0x19e: {  	[tilespmem:s11], [sflag:$0x2] =	stream.indirect_vreg.gather [hbm4b:s1+s3], $0x80, v4, vm0, $0xb8;
	[tilespmem:$0x19800] =	vst v63  }
0x19f: {  	s11 =	simm.s32 $0xB000  }
0x1a0: {  	[tilespmem:s11], [sflag:$0x2] =	stream.indirect_vreg.gather [hbm4b:s1+s3], $0x80, v3, vm0, $0xb8;
	[tilespmem:$0x19800] =	vst v63  }
0x1a1: {  	v3 =	vld [tilespmem:s7+$0xE0];
	_ =	sdelay $0x4  }
0x1a2: {  	v58 =	vshll.u32 v3, $0x1  }
0x1a3: {  	v3 =	vand.u32 $0x7, v3;
	v4 =	vand.u32 $0xFFFFFFF0, v58  }
0x1a4: {  	v3 =	vor.u32 v3, v4  }
0x1a5: {  	v4 =	vperm.xlane v3, v0;
	_ =	sdelay $0x1  }
0x1a6: {  	v3 =	vperm.xlane v3, v2;
	v4 =	vadd.s32 v1, v4;
	_ =	sdelay $0x1  }
0x1a7: {  	v3 =	vadd.s32 v1, v3;
	_ =	sdelay $0x1  }
0x1a8: {  	s11 =	simm.s32 $0xB800  }
0x1a9: {  	[tilespmem:s11], [sflag:$0x2] =	stream.indirect_vreg.gather [hbm4b:s1+s3], $0x80, v4, vm0, $0xb8;
	[tilespmem:$0x19800] =	vst v63  }
0x1aa: {  	s11 =	simm.s32 $0xC000  }
0x1ab: {  	[tilespmem:s11], [sflag:$0x2] =	stream.indirect_vreg.gather [hbm4b:s1+s3], $0x80, v3, vm0, $0xb8;
	[tilespmem:$0x19800] =	vst v63  }
0x1ac: {  	v3 =	vld [tilespmem:s7+$0xF0];
	_ =	sdelay $0x4  }
0x1ad: {  	v59 =	vshll.u32 v3, $0x1  }
0x1ae: {  	v3 =	vand.u32 $0x7, v3;
	v4 =	vand.u32 $0xFFFFFFF0, v59  }
0x1af: {  	v3 =	vor.u32 v3, v4  }
0x1b0: {  	v4 =	vperm.xlane v3, v0;
	_ =	sdelay $0x1  }
0x1b1: {  	v3 =	vperm.xlane v3, v2;
	v4 =	vadd.s32 v1, v4;
	_ =	sdelay $0x1  }
0x1b2: {  	v3 =	vadd.s32 v1, v3;
	_ =	sdelay $0x1  }
0x1b3: {  	s11 =	simm.s32 $0xC800  }
0x1b4: {  	[tilespmem:s11], [sflag:$0x2] =	stream.indirect_vreg.gather [hbm4b:s1+s3], $0x80, v4, vm0, $0xb8;
	[tilespmem:$0x19800] =	vst v63  }
0x1b5: {  	s11 =	simm.s32 $0xD000  }
0x1b6: {  	[tilespmem:s11], [sflag:$0x2] =	stream.indirect_vreg.gather [hbm4b:s1+s3], $0x80, v3, vm0, $0xb8;
	[tilespmem:$0x19800] =	vst v63  }
0x1b7: {  	v3 =	vld [tilespmem:s7+$0x100];
	_ =	sdelay $0x4  }
0x1b8: {  	v60 =	vshll.u32 v3, $0x1  }
0x1b9: {  	v3 =	vand.u32 $0x7, v3;
	v4 =	vand.u32 $0xFFFFFFF0, v60  }
0x1ba: {  	v3 =	vor.u32 v3, v4  }
0x1bb: {  	v4 =	vperm.xlane v3, v0;
	_ =	sdelay $0x1  }
0x1bc: {  	v3 =	vperm.xlane v3, v2;
	v4 =	vadd.s32 v1, v4;
	_ =	sdelay $0x1  }
0x1bd: {  	v3 =	vadd.s32 v1, v3;
	_ =	sdelay $0x1  }
0x1be: {  	s11 =	simm.s32 $0xD800  }
0x1bf: {  	[tilespmem:s11], [sflag:$0x2] =	stream.indirect_vreg.gather [hbm4b:s1+s3], $0x80, v4, vm0, $0xb8;
	[tilespmem:$0x19800] =	vst v63  }
0x1c0: {  	s11 =	simm.s32 $0xE000  }
0x1c1: {  	[tilespmem:s11], [sflag:$0x2] =	stream.indirect_vreg.gather [hbm4b:s1+s3], $0x80, v3, vm0, $0xb8;
	[tilespmem:$0x19800] =	vst v63  }
0x1c2: {  	v3 =	vld [tilespmem:s7+$0x110];
	_ =	sdelay $0x4  }
0x1c3: {  	v61 =	vshll.u32 v3, $0x1  }
0x1c4: {  	v3 =	vand.u32 $0x7, v3;
	v4 =	vand.u32 $0xFFFFFFF0, v61  }
0x1c5: {  	v3 =	vor.u32 v3, v4  }
0x1c6: {  	v4 =	vperm.xlane v3, v0;
	_ =	sdelay $0x1  }
0x1c7: {  	v3 =	vperm.xlane v3, v2;
	v4 =	vadd.s32 v1, v4;
	_ =	sdelay $0x1  }
0x1c8: {  	v3 =	vadd.s32 v1, v3;
	_ =	sdelay $0x1  }
0x1c9: {  	s11 =	simm.s32 $0xE800  }
0x1ca: {  	[tilespmem:s11], [sflag:$0x2] =	stream.indirect_vreg.gather [hbm4b:s1+s3], $0x80, v4, vm0, $0xb8;
	[tilespmem:$0x19800] =	vst v63  }
0x1cb: {  	s11 =	simm.s32 $0xF000  }
0x1cc: {  	[tilespmem:s11], [sflag:$0x2] =	stream.indirect_vreg.gather [hbm4b:s1+s3], $0x80, v3, vm0, $0xb8;
	[tilespmem:$0x19800] =	vst v63  }
0x1cd: {  	v3 =	vld [tilespmem:s7+$0x120];
	_ =	sdelay $0x4  }
0x1ce: {  	v62 =	vshll.u32 v3, $0x1  }
0x1cf: {  	v3 =	vand.u32 $0x7, v3;
	v4 =	vand.u32 $0xFFFFFFF0, v62  }
0x1d0: {  	v3 =	vor.u32 v3, v4  }
0x1d1: {  	v4 =	vperm.xlane v3, v0;
	_ =	sdelay $0x1  }
0x1d2: {  	v3 =	vperm.xlane v3, v2;
	v4 =	vadd.s32 v1, v4;
	_ =	sdelay $0x1  }
0x1d3: {  	v3 =	vadd.s32 v1, v3;
	_ =	sdelay $0x1  }
0x1d4: {  	s11 =	simm.s32 $0xF800  }
0x1d5: {  	[tilespmem:s11], [sflag:$0x2] =	stream.indirect_vreg.gather [hbm4b:s1+s3], $0x80, v4, vm0, $0xb8;
	[tilespmem:$0x19800] =	vst v63  }
0x1d6: {  	s11 =	simm.s32 $0x10000  }
0x1d7: {  	[tilespmem:s11], [sflag:$0x2] =	stream.indirect_vreg.gather [hbm4b:s1+s3], $0x80, v3, vm0, $0xb8;
	[tilespmem:$0x19800] =	vst v63  }
0x1d8: {  	v3 =	vld [tilespmem:s7+$0x130];
	_ =	sdelay $0x4  }
0x1d9: {  	v63 =	vshll.u32 v3, $0x1  }
0x1da: {  	v3 =	vand.u32 $0x7, v3;
	v4 =	vand.u32 $0xFFFFFFF0, v63  }
0x1db: {  	v3 =	vor.u32 v3, v4  }
0x1dc: {  	v4 =	vperm.xlane v3, v0;
	_ =	sdelay $0x1  }
0x1dd: {  	v3 =	vperm.xlane v3, v2;
	v4 =	vadd.s32 v1, v4;
	_ =	sdelay $0x1  }
0x1de: {  	v3 =	vadd.s32 v1, v3  }
.Ltmp4:
0x1df: {  	_ = 	snop;
	(pc) =	sbr.rel .LBB2_2-.Ltmp4, $4  }
0x1e0: {  	s11 =	simm.s32 $0x10800  }
0x1e1: {  	[tilespmem:s11], [sflag:$0x2] =	stream.indirect_vreg.gather [hbm4b:s1+s3], $0x80, v4, vm0, $0xb8;
	[tilespmem:$0x19800] =	vst v63  }
0x1e2: {  	s9 =	sadd.s32 $0x3000, s9;
	s7 =	sadd.s32 $0x180, s7  }
0x1e3: {  	[tilespmem:s12], [sflag:$0x2] =	stream.indirect_vreg.gather [hbm4b:s1+s3], $0x80, v3, vm0, $0xb8;
	[tilespmem:$0x19800] =	vst v63  }
.LBB2_7:
0x1e4: {  	_ =	sfence.sel $0x180000  }
0x1e5: {  	[bflag:$0x0] =	sbarrier.arrive $0xFFFF  }
0x1e6: {  	_ =	strace $0x90000047  }
0x1e7: {  	s0 =	stileid.u32;
	[bflag:$0x2] =	sbarrier.arrive $0xFFFF  }
0x1e8: {  	p0 =	sne.s32 s0, $0x0;
	s0 =	rddreg [dreg:$0x3]  }
0x1e9: {  	s0 =	sadd.s32 @!p0 $0x100000, s0  }
0x1ea: {  	[sflag:s0] =	ssyncadd.tile.s32 @!p0 $0x1;
	_ =	shalt  }
.Lfunc_end2:
_tile_overlayer_lowered:
.L_overlay_start_2:
0x1eb: {  	(tag) =	ssettag $0x2  }
0x1ec: {  	s0 =	rddreg [dreg:$0x0];
	s2 =	stileid.u32  }
0x1ed: {  	s1 =	rddreg [dreg:$0x1];
	p0 =	sne.s32 s2, $0x0  }
0x1ee: {  	s3 =	rddreg [dreg:$0x2];
	[bflag:$0x3] =	sbarrier.arrive $0xFFFF;
	s2 =	simm.s32 @!p0 $0x1C07  }
0x1ef: {  	[timem:s3], [sflag:s2] =	dma.local @!p0 [hbm:s0], s1  }
0x1f0: {  	s0 =	simm.s32 @!p0 $0x7  }
0x1f1: {  	_ =	swait.ge @!p0 [sflag:s0], s1  }
0x1f2: {  	s1 =	ssub.s32 @!p0 $0x0, s1;
	[sflag:s0] =	ssyncset.done @!p0 $0x0  }
0x1f3: {  	[sflag:s0] =	ssyncadd.s32 @!p0 s1  }
0x1f4: {  	[bflag:$0x3] =	sbarrier.arrive $0xFFFF  }
0x1f5: {  	_ =	shalt  }

</sc_bundles>
